<compile_context>
chip_gen: v7x
topology: tpu7x:2x2x1
jax: 0.10.2.dev20260603
libtpu: 0.0.44.dev20260713+nightly
codegen_flags: <defaults>
</compile_context>

<pallas_src>
import functools

import jax
import jax.numpy as jnp
from jax import lax
from jax.experimental import pallas as pl
from jax.experimental.pallas import tpu as pltpu
from jax.experimental.pallas import tpu_sc as plsc

D = 64
DP = 128
NW = 32
CHUNK = 128
NBUF = 3
UNROLL = 3


def _build_gather(seq: int, batch: int):
    nb = batch // CHUNK
    assert nb == NW
    nloop = seq // UNROLL
    mesh = plsc.VectorSubcoreMesh(core_axis_name="c", subcore_axis_name="s")

    @functools.partial(
        pl.kernel,
        mesh=mesh,
        compiler_params=pltpu.CompilerParams(needs_layout_passes=False),
        out_type=jax.ShapeDtypeStruct((seq * batch, DP), jnp.float32),
        scratch_types=[
            pltpu.VMEM((seq, CHUNK), jnp.int32),
            [pltpu.VMEM((CHUNK, DP), jnp.float32) for _ in range(NBUF)],
            [pltpu.SemaphoreType.DMA for _ in range(NBUF)],
            [pltpu.SemaphoreType.DMA for _ in range(NBUF)],
        ],
    )
    def emb(table_hbm, idx_hbm, out_hbm, idx_v, bufs, gsems, psems):
        wid = lax.axis_index("s") * 2 + lax.axis_index("c")
        base = wid * seq * CHUNK
        pltpu.sync_copy(idx_hbm.at[wid], idx_v)

        def gather(s, b):
            pltpu.async_copy(table_hbm.at[idx_v.at[s]], bufs[b], gsems[b])

        def gather_wait(s, b):
            pltpu.make_async_copy(
                table_hbm.at[idx_v.at[s]], bufs[b], gsems[b]).wait()

        def put(s, b):
            pltpu.async_copy(bufs[b],
                             out_hbm.at[pl.ds(base + s * CHUNK, CHUNK)],
                             psems[b])

        def put_wait(s, b):
            pltpu.make_async_copy(
                bufs[b],
                out_hbm.at[pl.ds(base + s * CHUNK, CHUNK)], psems[b]).wait()

        def chunk_step(s, k, first, refill):
            b = k % NBUF
            bp = (k + NBUF - 1) % NBUF
            gather_wait(s, b)
            put(s, b)
            if not first:
                put_wait(s - 1, bp)
            if refill == "static":
                gather(s + 2, (k + 2) % NBUF)
            elif refill == "guarded":
                @pl.when(s + 2 < seq)
                def _():
                    gather(s + 2, (k + 2) % NBUF)

        for b in range(2):
            gather(b, b)

        def body(p, carry):
            s0 = p * UNROLL
            for k in range(UNROLL):
                chunk_step(s0 + k, k, False, "guarded")
            return carry

        for k in range(UNROLL):
            chunk_step(k, k, k == 0, "static")
        lax.fori_loop(1, nloop, body, 0)
        tail0 = nloop * UNROLL
        for t in range(seq - tail0):
            chunk_step(tail0 + t, t, False, "none")
        put_wait(seq - 1, (seq - 1) % NBUF)

    return emb


def kernel(input_ids, attention_mask, table):
    b, s = input_ids.shape
    table_pad = jnp.pad(table, ((0, 0), (0, DP - D)))
    ids_w = input_ids.reshape(NW, (b * s) // (NW * CHUNK), CHUNK).astype(jnp.int32)
    out2 = _build_gather(s, b)(table_pad, ids_w)
    return out2[:, :D].reshape(b, s, D), attention_mask

# --- scband reference (transcript-rebuilt; emitter-appended) ---
"""Pipeline reference for scband-base-input-processor-1142461300902 (READ-ONLY COPY).

The authoritative reference and input builder live on the scoring server;
editing this copy changes nothing except your own understanding.
"""

import jax, jax.numpy as jnp
import numpy as np

VOCAB = 1000000
EMBED_DIM = 64
BATCH = 4096
SEQ = 200

def setup_inputs(seed: int = 0) -> dict:
    key = jax.random.key(seed)
    k1, k2 = jax.random.split(key)
    input_ids = jax.random.randint(k1, (BATCH, SEQ), 0, VOCAB, dtype=jnp.int64 if jax.config.jax_enable_x64 else jnp.int32)
    attention_mask = jnp.ones((BATCH, SEQ), dtype=jnp.float32)
    table = jax.random.normal(k2, (VOCAB, EMBED_DIM), dtype=jnp.float32) * 0.02
    return {"input_ids": input_ids, "attention_mask": attention_mask, "table": table}

def reference(input_ids, attention_mask, table):
    # input_embeddings = self.embeddings(input_ids)
    input_embeddings = jnp.take(table, input_ids, axis=0)
    return (input_embeddings, attention_mask)

if __name__ == "__main__":
    import jax
    _d = setup_inputs()
    print(jax.jit(kernel)(*tuple(_d.values())))

</pallas_src>

<mosaic_0001>
#map = affine_map<(d0, d1) -> (0, 0)>
#map1 = affine_map<(d0, d1) -> (0, 0, 0)>
module attributes {stable_mosaic.version = 14 : i64} {
  func.func @emb(%arg0: i32, %arg1: i32, %arg2: memref<1000000x128xf32, #tpu.memory_space<hbm>>, %arg3: memref<32x200x128xi32, #tpu.memory_space<hbm>>, %arg4: memref<819200x128xf32, #tpu.memory_space<hbm>>, %arg5: memref<200x128xi32, #tpu.memory_space<vmem>>, %arg6: memref<128x128xf32, #tpu.memory_space<vmem>>, %arg7: memref<128x128xf32, #tpu.memory_space<vmem>>, %arg8: memref<128x128xf32, #tpu.memory_space<vmem>>, %arg9: memref<!tpu.dma_semaphore, #tpu.memory_space<semaphore_mem>>, %arg10: memref<!tpu.dma_semaphore, #tpu.memory_space<semaphore_mem>>, %arg11: memref<!tpu.dma_semaphore, #tpu.memory_space<semaphore_mem>>, %arg12: memref<!tpu.dma_semaphore, #tpu.memory_space<semaphore_mem>>, %arg13: memref<!tpu.dma_semaphore, #tpu.memory_space<semaphore_mem>>, %arg14: memref<!tpu.dma_semaphore, #tpu.memory_space<semaphore_mem>>) attributes {dimension_semantics = [#tpu.dimension_semantics<core_parallel>, #tpu.dimension_semantics<subcore_parallel>], iteration_bounds = array<i64: 2, 16>, scalar_prefetch = 0 : i64, scratch_operands = 10 : i64, tpu.core_type = #tpu.core_type<sc_vector_subcore>, window_params = [{transform_indices = #map}, {transform_indices = #map1}, {transform_indices = #map}]} {
    %mul3A = arith.constant 2 : i32
    %mul3A_0 = arith.muli %arg1, %mul3A : i32
    %add3A = arith.addi %mul3A_0, %arg0 : i32
    %mul3A_1 = arith.constant 200 : i32
    %mul3A_2 = arith.muli %add3A, %mul3A_1 : i32
    %mul3A_3 = arith.constant 128 : i32
    %mul3A_4 = arith.muli %mul3A_2, %mul3A_3 : i32
    "tpu.region"() ({
      %run_scoped3A = tpu.sem_alloc : memref<!tpu.dma_semaphore, #tpu.memory_space<semaphore_mem>>
      %dma_start3A_138 = arith.constant 0 : i32
      %dma_start3A_139 = arith.constant 0 : i32
      %dma_start3A_140 = tpu.memref_slice %arg3[%add3A, %dma_start3A_138, %dma_start3A_139] : memref<32x200x128xi32, #tpu.memory_space<hbm>> -> memref<1x200x128xi32, #tpu.memory_space<hbm>>
      %dma_start3A_141 = tpu.memref_squeeze %dma_start3A_140 : memref<1x200x128xi32, #tpu.memory_space<hbm>> -> memref<200x128xi32, #tpu.memory_space<hbm>>
      %dma_start3A_142 = arith.constant 0 : i32
      %dma_start3A_143 = arith.constant 0 : i32
      %dma_start3A_144 = tpu.memref_slice %arg3[%add3A, %dma_start3A_142, %dma_start3A_143] : memref<32x200x128xi32, #tpu.memory_space<hbm>> -> memref<1x200x128xi32, #tpu.memory_space<hbm>>
      %dma_start3A_145 = tpu.memref_squeeze %dma_start3A_144 : memref<1x200x128xi32, #tpu.memory_space<hbm>> -> memref<200x128xi32, #tpu.memory_space<hbm>>
      tpu.enqueue_dma source(%dma_start3A_145 : memref<200x128xi32, #tpu.memory_space<hbm>>) target(%arg5 : memref<200x128xi32, #tpu.memory_space<vmem>>) target_semaphore(%run_scoped3A : memref<!tpu.dma_semaphore, #tpu.memory_space<semaphore_mem>>)
      %dma_wait3A_146 = arith.constant 0 : i32
      %dma_wait3A_147 = arith.constant 0 : i32
      %dma_wait3A_148 = tpu.memref_slice %arg3[%add3A, %dma_wait3A_146, %dma_wait3A_147] : memref<32x200x128xi32, #tpu.memory_space<hbm>> -> memref<1x200x128xi32, #tpu.memory_space<hbm>>
      %dma_wait3A_149 = tpu.memref_squeeze %dma_wait3A_148 : memref<1x200x128xi32, #tpu.memory_space<hbm>> -> memref<200x128xi32, #tpu.memory_space<hbm>>
      %dma_wait3A_150 = arith.constant 0 : i32
      %dma_wait3A_151 = arith.constant 0 : i32
      %dma_wait3A_152 = tpu.memref_slice %arg3[%add3A, %dma_wait3A_150, %dma_wait3A_151] : memref<32x200x128xi32, #tpu.memory_space<hbm>> -> memref<1x200x128xi32, #tpu.memory_space<hbm>>
      %dma_wait3A_153 = tpu.memref_squeeze %dma_wait3A_152 : memref<1x200x128xi32, #tpu.memory_space<hbm>> -> memref<200x128xi32, #tpu.memory_space<hbm>>
      tpu.wait_dma2 semaphore(%run_scoped3A : memref<!tpu.dma_semaphore, #tpu.memory_space<semaphore_mem>>) src(%dma_wait3A_153 : memref<200x128xi32, #tpu.memory_space<hbm>>) dst(%arg5 : memref<200x128xi32, #tpu.memory_space<vmem>>)
      tpu.yield
    }) : () -> ()
    %dma_start3A = arith.constant 0 : i32
    %dma_start3A_5 = arith.constant 0 : i32
    %dma_start3A_6 = tpu.memref_slice %arg5[%dma_start3A, %dma_start3A_5] : memref<200x128xi32, #tpu.memory_space<vmem>> -> memref<1x128xi32, #tpu.memory_space<vmem>>
    %dma_start3A_7 = tpu.memref_squeeze %dma_start3A_6 : memref<1x128xi32, #tpu.memory_space<vmem>> -> memref<128xi32, #tpu.memory_space<vmem>>
    %dma_start3A_8 = arith.constant 0 : i32
    %dma_start3A_9 = arith.constant 0 : i32
    %dma_start3A_10 = tpu.memref_slice %arg2[%dma_start3A_8, %dma_start3A_9] : memref<1000000x128xf32, #tpu.memory_space<hbm>> -> memref<1000000x128xf32, #tpu.memory_space<hbm>>
    tpu.enqueue_indirect_dma source(%dma_start3A_10 : memref<1000000x128xf32, #tpu.memory_space<hbm>>) target(%arg6 : memref<128x128xf32, #tpu.memory_space<vmem>>) offsets(%dma_start3A_7 : memref<128xi32, #tpu.memory_space<vmem>>) semaphore(%arg9 : memref<!tpu.dma_semaphore, #tpu.memory_space<semaphore_mem>>)
    %dma_start3A_11 = arith.constant 1 : i32
    %dma_start3A_12 = arith.constant 0 : i32
    %dma_start3A_13 = tpu.memref_slice %arg5[%dma_start3A_11, %dma_start3A_12] : memref<200x128xi32, #tpu.memory_space<vmem>> -> memref<1x128xi32, #tpu.memory_space<vmem>>
    %dma_start3A_14 = tpu.memref_squeeze %dma_start3A_13 : memref<1x128xi32, #tpu.memory_space<vmem>> -> memref<128xi32, #tpu.memory_space<vmem>>
    %dma_start3A_15 = arith.constant 0 : i32
    %dma_start3A_16 = arith.constant 0 : i32
    %dma_start3A_17 = tpu.memref_slice %arg2[%dma_start3A_15, %dma_start3A_16] : memref<1000000x128xf32, #tpu.memory_space<hbm>> -> memref<1000000x128xf32, #tpu.memory_space<hbm>>
    tpu.enqueue_indirect_dma source(%dma_start3A_17 : memref<1000000x128xf32, #tpu.memory_space<hbm>>) target(%arg7 : memref<128x128xf32, #tpu.memory_space<vmem>>) offsets(%dma_start3A_14 : memref<128xi32, #tpu.memory_space<vmem>>) semaphore(%arg10 : memref<!tpu.dma_semaphore, #tpu.memory_space<semaphore_mem>>)
    %dma_wait3A = arith.constant 0 : i32
    %dma_wait3A_18 = arith.constant 0 : i32
    %dma_wait3A_19 = tpu.memref_slice %arg5[%dma_wait3A, %dma_wait3A_18] : memref<200x128xi32, #tpu.memory_space<vmem>> -> memref<1x128xi32, #tpu.memory_space<vmem>>
    %dma_wait3A_20 = tpu.memref_squeeze %dma_wait3A_19 : memref<1x128xi32, #tpu.memory_space<vmem>> -> memref<128xi32, #tpu.memory_space<vmem>>
    %dma_wait3A_21 = arith.constant 0 : i32
    %dma_wait3A_22 = arith.constant 0 : i32
    %dma_wait3A_23 = tpu.memref_slice %arg2[%dma_wait3A_21, %dma_wait3A_22] : memref<1000000x128xf32, #tpu.memory_space<hbm>> -> memref<1000000x128xf32, #tpu.memory_space<hbm>>
    tpu.wait_indirect_dma semaphore(%arg9 : memref<!tpu.dma_semaphore, #tpu.memory_space<semaphore_mem>>) src(%dma_wait3A_23 : memref<1000000x128xf32, #tpu.memory_space<hbm>>) dst(%arg6 : memref<128x128xf32, #tpu.memory_space<vmem>>)
    %add3A_24 = arith.constant 0 : i32
    %add3A_25 = arith.addi %mul3A_4, %add3A_24 : i32
    %dma_start3A_26 = arith.constant 0 : i32
    %dma_start3A_27 = tpu.memref_slice %arg4[%add3A_25, %dma_start3A_26] : memref<819200x128xf32, #tpu.memory_space<hbm>> -> memref<128x128xf32, #tpu.memory_space<hbm>>
    %dma_start3A_28 = arith.constant 0 : i32
    %dma_start3A_29 = tpu.memref_slice %arg4[%add3A_25, %dma_start3A_28] : memref<819200x128xf32, #tpu.memory_space<hbm>> -> memref<128x128xf32, #tpu.memory_space<hbm>>
    tpu.enqueue_dma source(%arg6 : memref<128x128xf32, #tpu.memory_space<vmem>>) target(%dma_start3A_29 : memref<128x128xf32, #tpu.memory_space<hbm>>) target_semaphore(%arg12 : memref<!tpu.dma_semaphore, #tpu.memory_space<semaphore_mem>>)
    %dma_start3A_30 = arith.constant 2 : i32
    %dma_start3A_31 = arith.constant 0 : i32
    %dma_start3A_32 = tpu.memref_slice %arg5[%dma_start3A_30, %dma_start3A_31] : memref<200x128xi32, #tpu.memory_space<vmem>> -> memref<1x128xi32, #tpu.memory_space<vmem>>
    %dma_start3A_33 = tpu.memref_squeeze %dma_start3A_32 : memref<1x128xi32, #tpu.memory_space<vmem>> -> memref<128xi32, #tpu.memory_space<vmem>>
    %dma_start3A_34 = arith.constant 0 : i32
    %dma_start3A_35 = arith.constant 0 : i32
    %dma_start3A_36 = tpu.memref_slice %arg2[%dma_start3A_34, %dma_start3A_35] : memref<1000000x128xf32, #tpu.memory_space<hbm>> -> memref<1000000x128xf32, #tpu.memory_space<hbm>>
    tpu.enqueue_indirect_dma source(%dma_start3A_36 : memref<1000000x128xf32, #tpu.memory_space<hbm>>) target(%arg8 : memref<128x128xf32, #tpu.memory_space<vmem>>) offsets(%dma_start3A_33 : memref<128xi32, #tpu.memory_space<vmem>>) semaphore(%arg11 : memref<!tpu.dma_semaphore, #tpu.memory_space<semaphore_mem>>)
    %dma_wait3A_37 = arith.constant 1 : i32
    %dma_wait3A_38 = arith.constant 0 : i32
    %dma_wait3A_39 = tpu.memref_slice %arg5[%dma_wait3A_37, %dma_wait3A_38] : memref<200x128xi32, #tpu.memory_space<vmem>> -> memref<1x128xi32, #tpu.memory_space<vmem>>
    %dma_wait3A_40 = tpu.memref_squeeze %dma_wait3A_39 : memref<1x128xi32, #tpu.memory_space<vmem>> -> memref<128xi32, #tpu.memory_space<vmem>>
    %dma_wait3A_41 = arith.constant 0 : i32
    %dma_wait3A_42 = arith.constant 0 : i32
    %dma_wait3A_43 = tpu.memref_slice %arg2[%dma_wait3A_41, %dma_wait3A_42] : memref<1000000x128xf32, #tpu.memory_space<hbm>> -> memref<1000000x128xf32, #tpu.memory_space<hbm>>
    tpu.wait_indirect_dma semaphore(%arg10 : memref<!tpu.dma_semaphore, #tpu.memory_space<semaphore_mem>>) src(%dma_wait3A_43 : memref<1000000x128xf32, #tpu.memory_space<hbm>>) dst(%arg7 : memref<128x128xf32, #tpu.memory_space<vmem>>)
    %add3A_44 = arith.constant 128 : i32
    %add3A_45 = arith.addi %mul3A_4, %add3A_44 : i32
    %dma_start3A_46 = arith.constant 0 : i32
    %dma_start3A_47 = tpu.memref_slice %arg4[%add3A_45, %dma_start3A_46] : memref<819200x128xf32, #tpu.memory_space<hbm>> -> memref<128x128xf32, #tpu.memory_space<hbm>>
    %dma_start3A_48 = arith.constant 0 : i32
    %dma_start3A_49 = tpu.memref_slice %arg4[%add3A_45, %dma_start3A_48] : memref<819200x128xf32, #tpu.memory_space<hbm>> -> memref<128x128xf32, #tpu.memory_space<hbm>>
    tpu.enqueue_dma source(%arg7 : memref<128x128xf32, #tpu.memory_space<vmem>>) target(%dma_start3A_49 : memref<128x128xf32, #tpu.memory_space<hbm>>) target_semaphore(%arg13 : memref<!tpu.dma_semaphore, #tpu.memory_space<semaphore_mem>>)
    %add3A_50 = arith.constant 0 : i32
    %add3A_51 = arith.addi %mul3A_4, %add3A_50 : i32
    %dma_wait3A_52 = arith.constant 0 : i32
    %dma_wait3A_53 = tpu.memref_slice %arg4[%add3A_51, %dma_wait3A_52] : memref<819200x128xf32, #tpu.memory_space<hbm>> -> memref<128x128xf32, #tpu.memory_space<hbm>>
    %dma_wait3A_54 = arith.constant 0 : i32
    %dma_wait3A_55 = tpu.memref_slice %arg4[%add3A_51, %dma_wait3A_54] : memref<819200x128xf32, #tpu.memory_space<hbm>> -> memref<128x128xf32, #tpu.memory_space<hbm>>
    tpu.wait_dma2 semaphore(%arg12 : memref<!tpu.dma_semaphore, #tpu.memory_space<semaphore_mem>>) src(%arg6 : memref<128x128xf32, #tpu.memory_space<vmem>>) dst(%dma_wait3A_55 : memref<128x128xf32, #tpu.memory_space<hbm>>)
    %dma_start3A_56 = arith.constant 3 : i32
    %dma_start3A_57 = arith.constant 0 : i32
    %dma_start3A_58 = tpu.memref_slice %arg5[%dma_start3A_56, %dma_start3A_57] : memref<200x128xi32, #tpu.memory_space<vmem>> -> memref<1x128xi32, #tpu.memory_space<vmem>>
    %dma_start3A_59 = tpu.memref_squeeze %dma_start3A_58 : memref<1x128xi32, #tpu.memory_space<vmem>> -> memref<128xi32, #tpu.memory_space<vmem>>
    %dma_start3A_60 = arith.constant 0 : i32
    %dma_start3A_61 = arith.constant 0 : i32
    %dma_start3A_62 = tpu.memref_slice %arg2[%dma_start3A_60, %dma_start3A_61] : memref<1000000x128xf32, #tpu.memory_space<hbm>> -> memref<1000000x128xf32, #tpu.memory_space<hbm>>
    tpu.enqueue_indirect_dma source(%dma_start3A_62 : memref<1000000x128xf32, #tpu.memory_space<hbm>>) target(%arg6 : memref<128x128xf32, #tpu.memory_space<vmem>>) offsets(%dma_start3A_59 : memref<128xi32, #tpu.memory_space<vmem>>) semaphore(%arg9 : memref<!tpu.dma_semaphore, #tpu.memory_space<semaphore_mem>>)
    %dma_wait3A_63 = arith.constant 2 : i32
    %dma_wait3A_64 = arith.constant 0 : i32
    %dma_wait3A_65 = tpu.memref_slice %arg5[%dma_wait3A_63, %dma_wait3A_64] : memref<200x128xi32, #tpu.memory_space<vmem>> -> memref<1x128xi32, #tpu.memory_space<vmem>>
    %dma_wait3A_66 = tpu.memref_squeeze %dma_wait3A_65 : memref<1x128xi32, #tpu.memory_space<vmem>> -> memref<128xi32, #tpu.memory_space<vmem>>
    %dma_wait3A_67 = arith.constant 0 : i32
    %dma_wait3A_68 = arith.constant 0 : i32
    %dma_wait3A_69 = tpu.memref_slice %arg2[%dma_wait3A_67, %dma_wait3A_68] : memref<1000000x128xf32, #tpu.memory_space<hbm>> -> memref<1000000x128xf32, #tpu.memory_space<hbm>>
    tpu.wait_indirect_dma semaphore(%arg11 : memref<!tpu.dma_semaphore, #tpu.memory_space<semaphore_mem>>) src(%dma_wait3A_69 : memref<1000000x128xf32, #tpu.memory_space<hbm>>) dst(%arg8 : memref<128x128xf32, #tpu.memory_space<vmem>>)
    %add3A_70 = arith.constant 256 : i32
    %add3A_71 = arith.addi %mul3A_4, %add3A_70 : i32
    %dma_start3A_72 = arith.constant 0 : i32
    %dma_start3A_73 = tpu.memref_slice %arg4[%add3A_71, %dma_start3A_72] : memref<819200x128xf32, #tpu.memory_space<hbm>> -> memref<128x128xf32, #tpu.memory_space<hbm>>
    %dma_start3A_74 = arith.constant 0 : i32
    %dma_start3A_75 = tpu.memref_slice %arg4[%add3A_71, %dma_start3A_74] : memref<819200x128xf32, #tpu.memory_space<hbm>> -> memref<128x128xf32, #tpu.memory_space<hbm>>
    tpu.enqueue_dma source(%arg8 : memref<128x128xf32, #tpu.memory_space<vmem>>) target(%dma_start3A_75 : memref<128x128xf32, #tpu.memory_space<hbm>>) target_semaphore(%arg14 : memref<!tpu.dma_semaphore, #tpu.memory_space<semaphore_mem>>)
    %add3A_76 = arith.constant 128 : i32
    %add3A_77 = arith.addi %mul3A_4, %add3A_76 : i32
    %dma_wait3A_78 = arith.constant 0 : i32
    %dma_wait3A_79 = tpu.memref_slice %arg4[%add3A_77, %dma_wait3A_78] : memref<819200x128xf32, #tpu.memory_space<hbm>> -> memref<128x128xf32, #tpu.memory_space<hbm>>
    %dma_wait3A_80 = arith.constant 0 : i32
    %dma_wait3A_81 = tpu.memref_slice %arg4[%add3A_77, %dma_wait3A_80] : memref<819200x128xf32, #tpu.memory_space<hbm>> -> memref<128x128xf32, #tpu.memory_space<hbm>>
    tpu.wait_dma2 semaphore(%arg13 : memref<!tpu.dma_semaphore, #tpu.memory_space<semaphore_mem>>) src(%arg7 : memref<128x128xf32, #tpu.memory_space<vmem>>) dst(%dma_wait3A_81 : memref<128x128xf32, #tpu.memory_space<hbm>>)
    %dma_start3A_82 = arith.constant 4 : i32
    %dma_start3A_83 = arith.constant 0 : i32
    %dma_start3A_84 = tpu.memref_slice %arg5[%dma_start3A_82, %dma_start3A_83] : memref<200x128xi32, #tpu.memory_space<vmem>> -> memref<1x128xi32, #tpu.memory_space<vmem>>
    %dma_start3A_85 = tpu.memref_squeeze %dma_start3A_84 : memref<1x128xi32, #tpu.memory_space<vmem>> -> memref<128xi32, #tpu.memory_space<vmem>>
    %dma_start3A_86 = arith.constant 0 : i32
    %dma_start3A_87 = arith.constant 0 : i32
    %dma_start3A_88 = tpu.memref_slice %arg2[%dma_start3A_86, %dma_start3A_87] : memref<1000000x128xf32, #tpu.memory_space<hbm>> -> memref<1000000x128xf32, #tpu.memory_space<hbm>>
    tpu.enqueue_indirect_dma source(%dma_start3A_88 : memref<1000000x128xf32, #tpu.memory_space<hbm>>) target(%arg7 : memref<128x128xf32, #tpu.memory_space<vmem>>) offsets(%dma_start3A_85 : memref<128xi32, #tpu.memory_space<vmem>>) semaphore(%arg10 : memref<!tpu.dma_semaphore, #tpu.memory_space<semaphore_mem>>)
    %scan3A = arith.constant 0 : i32
    %scan3A_89 = arith.constant 1 : i32
    %scan3A_90 = arith.constant 65 : i32
    %scan3A_91 = arith.addi %scan3A_89, %scan3A_90 : i32
    %scan3A_92 = arith.constant 1 : i32
    scf.for %scan3A_138 = %scan3A_89 to %scan3A_91 step %scan3A_92  : i32 {
      %mul3A_139 = arith.constant 3 : i32
      %mul3A_140 = arith.muli %scan3A_138, %mul3A_139 : i32
      %add3A_141 = arith.constant 0 : i32
      %add3A_142 = arith.addi %mul3A_140, %add3A_141 : i32
      %dma_wait3A_143 = arith.constant 0 : i32
      %dma_wait3A_144 = tpu.memref_slice %arg5[%add3A_142, %dma_wait3A_143] : memref<200x128xi32, #tpu.memory_space<vmem>> -> memref<1x128xi32, #tpu.memory_space<vmem>>
      %dma_wait3A_145 = tpu.memref_squeeze %dma_wait3A_144 : memref<1x128xi32, #tpu.memory_space<vmem>> -> memref<128xi32, #tpu.memory_space<vmem>>
      %dma_wait3A_146 = arith.constant 0 : i32
      %dma_wait3A_147 = arith.constant 0 : i32
      %dma_wait3A_148 = tpu.memref_slice %arg2[%dma_wait3A_146, %dma_wait3A_147] : memref<1000000x128xf32, #tpu.memory_space<hbm>> -> memref<1000000x128xf32, #tpu.memory_space<hbm>>
      tpu.wait_indirect_dma semaphore(%arg9 : memref<!tpu.dma_semaphore, #tpu.memory_space<semaphore_mem>>) src(%dma_wait3A_148 : memref<1000000x128xf32, #tpu.memory_space<hbm>>) dst(%arg6 : memref<128x128xf32, #tpu.memory_space<vmem>>)
      %mul3A_149 = arith.constant 128 : i32
      %mul3A_150 = arith.muli %add3A_142, %mul3A_149 : i32
      %add3A_151 = arith.addi %mul3A_4, %mul3A_150 : i32
      %dma_start3A_152 = arith.constant 0 : i32
      %dma_start3A_153 = tpu.memref_slice %arg4[%add3A_151, %dma_start3A_152] : memref<819200x128xf32, #tpu.memory_space<hbm>> -> memref<128x128xf32, #tpu.memory_space<hbm>>
      %dma_start3A_154 = arith.constant 0 : i32
      %dma_start3A_155 = tpu.memref_slice %arg4[%add3A_151, %dma_start3A_154] : memref<819200x128xf32, #tpu.memory_space<hbm>> -> memref<128x128xf32, #tpu.memory_space<hbm>>
      tpu.enqueue_dma source(%arg6 : memref<128x128xf32, #tpu.memory_space<vmem>>) target(%dma_start3A_155 : memref<128x128xf32, #tpu.memory_space<hbm>>) target_semaphore(%arg12 : memref<!tpu.dma_semaphore, #tpu.memory_space<semaphore_mem>>)
      %sub3A = arith.constant 1 : i32
      %sub3A_156 = arith.subi %add3A_142, %sub3A : i32
      %mul3A_157 = arith.constant 128 : i32
      %mul3A_158 = arith.muli %sub3A_156, %mul3A_157 : i32
      %add3A_159 = arith.addi %mul3A_4, %mul3A_158 : i32
      %dma_wait3A_160 = arith.constant 0 : i32
      %dma_wait3A_161 = tpu.memref_slice %arg4[%add3A_159, %dma_wait3A_160] : memref<819200x128xf32, #tpu.memory_space<hbm>> -> memref<128x128xf32, #tpu.memory_space<hbm>>
      %dma_wait3A_162 = arith.constant 0 : i32
      %dma_wait3A_163 = tpu.memref_slice %arg4[%add3A_159, %dma_wait3A_162] : memref<819200x128xf32, #tpu.memory_space<hbm>> -> memref<128x128xf32, #tpu.memory_space<hbm>>
      tpu.wait_dma2 semaphore(%arg14 : memref<!tpu.dma_semaphore, #tpu.memory_space<semaphore_mem>>) src(%arg8 : memref<128x128xf32, #tpu.memory_space<vmem>>) dst(%dma_wait3A_163 : memref<128x128xf32, #tpu.memory_space<hbm>>)
      %add3A_164 = arith.constant 2 : i32
      %add3A_165 = arith.addi %add3A_142, %add3A_164 : i32
      %lt3A = arith.constant 200 : i32
      %lt3A_166 = arith.cmpi slt, %add3A_165, %lt3A : i32
      %convert_element_type3A = arith.extui %lt3A_166 : i1 to i32
      %cond3A = arith.constant 0 : i32
      %cond3A_167 = arith.cmpi ne, %convert_element_type3A, %cond3A : i32
      scf.if %cond3A_167 {
        %add3A_230 = arith.constant 2 : i32
        %add3A_231 = arith.addi %add3A_142, %add3A_230 : i32
        %dma_start3A_232 = arith.constant 0 : i32
        %dma_start3A_233 = tpu.memref_slice %arg5[%add3A_231, %dma_start3A_232] : memref<200x128xi32, #tpu.memory_space<vmem>> -> memref<1x128xi32, #tpu.memory_space<vmem>>
        %dma_start3A_234 = tpu.memref_squeeze %dma_start3A_233 : memref<1x128xi32, #tpu.memory_space<vmem>> -> memref<128xi32, #tpu.memory_space<vmem>>
        %dma_start3A_235 = arith.constant 0 : i32
        %dma_start3A_236 = arith.constant 0 : i32
        %dma_start3A_237 = tpu.memref_slice %arg2[%dma_start3A_235, %dma_start3A_236] : memref<1000000x128xf32, #tpu.memory_space<hbm>> -> memref<1000000x128xf32, #tpu.memory_space<hbm>>
        tpu.enqueue_indirect_dma source(%dma_start3A_237 : memref<1000000x128xf32, #tpu.memory_space<hbm>>) target(%arg8 : memref<128x128xf32, #tpu.memory_space<vmem>>) offsets(%dma_start3A_234 : memref<128xi32, #tpu.memory_space<vmem>>) semaphore(%arg11 : memref<!tpu.dma_semaphore, #tpu.memory_space<semaphore_mem>>)
      } else {
      }
      %add3A_168 = arith.constant 1 : i32
      %add3A_169 = arith.addi %mul3A_140, %add3A_168 : i32
      %dma_wait3A_170 = arith.constant 0 : i32
      %dma_wait3A_171 = tpu.memref_slice %arg5[%add3A_169, %dma_wait3A_170] : memref<200x128xi32, #tpu.memory_space<vmem>> -> memref<1x128xi32, #tpu.memory_space<vmem>>
      %dma_wait3A_172 = tpu.memref_squeeze %dma_wait3A_171 : memref<1x128xi32, #tpu.memory_space<vmem>> -> memref<128xi32, #tpu.memory_space<vmem>>
      %dma_wait3A_173 = arith.constant 0 : i32
      %dma_wait3A_174 = arith.constant 0 : i32
      %dma_wait3A_175 = tpu.memref_slice %arg2[%dma_wait3A_173, %dma_wait3A_174] : memref<1000000x128xf32, #tpu.memory_space<hbm>> -> memref<1000000x128xf32, #tpu.memory_space<hbm>>
      tpu.wait_indirect_dma semaphore(%arg10 : memref<!tpu.dma_semaphore, #tpu.memory_space<semaphore_mem>>) src(%dma_wait3A_175 : memref<1000000x128xf32, #tpu.memory_space<hbm>>) dst(%arg7 : memref<128x128xf32, #tpu.memory_space<vmem>>)
      %mul3A_176 = arith.constant 128 : i32
      %mul3A_177 = arith.muli %add3A_169, %mul3A_176 : i32
      %add3A_178 = arith.addi %mul3A_4, %mul3A_177 : i32
      %dma_start3A_179 = arith.constant 0 : i32
      %dma_start3A_180 = tpu.memref_slice %arg4[%add3A_178, %dma_start3A_179] : memref<819200x128xf32, #tpu.memory_space<hbm>> -> memref<128x128xf32, #tpu.memory_space<hbm>>
      %dma_start3A_181 = arith.constant 0 : i32
      %dma_start3A_182 = tpu.memref_slice %arg4[%add3A_178, %dma_start3A_181] : memref<819200x128xf32, #tpu.memory_space<hbm>> -> memref<128x128xf32, #tpu.memory_space<hbm>>
      tpu.enqueue_dma source(%arg7 : memref<128x128xf32, #tpu.memory_space<vmem>>) target(%dma_start3A_182 : memref<128x128xf32, #tpu.memory_space<hbm>>) target_semaphore(%arg13 : memref<!tpu.dma_semaphore, #tpu.memory_space<semaphore_mem>>)
      %sub3A_183 = arith.constant 1 : i32
      %sub3A_184 = arith.subi %add3A_169, %sub3A_183 : i32
      %mul3A_185 = arith.constant 128 : i32
      %mul3A_186 = arith.muli %sub3A_184, %mul3A_185 : i32
      %add3A_187 = arith.addi %mul3A_4, %mul3A_186 : i32
      %dma_wait3A_188 = arith.constant 0 : i32
      %dma_wait3A_189 = tpu.memref_slice %arg4[%add3A_187, %dma_wait3A_188] : memref<819200x128xf32, #tpu.memory_space<hbm>> -> memref<128x128xf32, #tpu.memory_space<hbm>>
      %dma_wait3A_190 = arith.constant 0 : i32
      %dma_wait3A_191 = tpu.memref_slice %arg4[%add3A_187, %dma_wait3A_190] : memref<819200x128xf32, #tpu.memory_space<hbm>> -> memref<128x128xf32, #tpu.memory_space<hbm>>
      tpu.wait_dma2 semaphore(%arg12 : memref<!tpu.dma_semaphore, #tpu.memory_space<semaphore_mem>>) src(%arg6 : memref<128x128xf32, #tpu.memory_space<vmem>>) dst(%dma_wait3A_191 : memref<128x128xf32, #tpu.memory_space<hbm>>)
      %add3A_192 = arith.constant 2 : i32
      %add3A_193 = arith.addi %add3A_169, %add3A_192 : i32
      %lt3A_194 = arith.constant 200 : i32
      %lt3A_195 = arith.cmpi slt, %add3A_193, %lt3A_194 : i32
      %convert_element_type3A_196 = arith.extui %lt3A_195 : i1 to i32
      %cond3A_197 = arith.constant 0 : i32
      %cond3A_198 = arith.cmpi ne, %convert_element_type3A_196, %cond3A_197 : i32
      scf.if %cond3A_198 {
        %add3A_230 = arith.constant 2 : i32
        %add3A_231 = arith.addi %add3A_169, %add3A_230 : i32
        %dma_start3A_232 = arith.constant 0 : i32
        %dma_start3A_233 = tpu.memref_slice %arg5[%add3A_231, %dma_start3A_232] : memref<200x128xi32, #tpu.memory_space<vmem>> -> memref<1x128xi32, #tpu.memory_space<vmem>>
        %dma_start3A_234 = tpu.memref_squeeze %dma_start3A_233 : memref<1x128xi32, #tpu.memory_space<vmem>> -> memref<128xi32, #tpu.memory_space<vmem>>
        %dma_start3A_235 = arith.constant 0 : i32
        %dma_start3A_236 = arith.constant 0 : i32
        %dma_start3A_237 = tpu.memref_slice %arg2[%dma_start3A_235, %dma_start3A_236] : memref<1000000x128xf32, #tpu.memory_space<hbm>> -> memref<1000000x128xf32, #tpu.memory_space<hbm>>
        tpu.enqueue_indirect_dma source(%dma_start3A_237 : memref<1000000x128xf32, #tpu.memory_space<hbm>>) target(%arg6 : memref<128x128xf32, #tpu.memory_space<vmem>>) offsets(%dma_start3A_234 : memref<128xi32, #tpu.memory_space<vmem>>) semaphore(%arg9 : memref<!tpu.dma_semaphore, #tpu.memory_space<semaphore_mem>>)
      } else {
      }
      %add3A_199 = arith.constant 2 : i32
      %add3A_200 = arith.addi %mul3A_140, %add3A_199 : i32
      %dma_wait3A_201 = arith.constant 0 : i32
      %dma_wait3A_202 = tpu.memref_slice %arg5[%add3A_200, %dma_wait3A_201] : memref<200x128xi32, #tpu.memory_space<vmem>> -> memref<1x128xi32, #tpu.memory_space<vmem>>
      %dma_wait3A_203 = tpu.memref_squeeze %dma_wait3A_202 : memref<1x128xi32, #tpu.memory_space<vmem>> -> memref<128xi32, #tpu.memory_space<vmem>>
      %dma_wait3A_204 = arith.constant 0 : i32
      %dma_wait3A_205 = arith.constant 0 : i32
      %dma_wait3A_206 = tpu.memref_slice %arg2[%dma_wait3A_204, %dma_wait3A_205] : memref<1000000x128xf32, #tpu.memory_space<hbm>> -> memref<1000000x128xf32, #tpu.memory_space<hbm>>
      tpu.wait_indirect_dma semaphore(%arg11 : memref<!tpu.dma_semaphore, #tpu.memory_space<semaphore_mem>>) src(%dma_wait3A_206 : memref<1000000x128xf32, #tpu.memory_space<hbm>>) dst(%arg8 : memref<128x128xf32, #tpu.memory_space<vmem>>)
      %mul3A_207 = arith.constant 128 : i32
      %mul3A_208 = arith.muli %add3A_200, %mul3A_207 : i32
      %add3A_209 = arith.addi %mul3A_4, %mul3A_208 : i32
      %dma_start3A_210 = arith.constant 0 : i32
      %dma_start3A_211 = tpu.memref_slice %arg4[%add3A_209, %dma_start3A_210] : memref<819200x128xf32, #tpu.memory_space<hbm>> -> memref<128x128xf32, #tpu.memory_space<hbm>>
      %dma_start3A_212 = arith.constant 0 : i32
      %dma_start3A_213 = tpu.memref_slice %arg4[%add3A_209, %dma_start3A_212] : memref<819200x128xf32, #tpu.memory_space<hbm>> -> memref<128x128xf32, #tpu.memory_space<hbm>>
      tpu.enqueue_dma source(%arg8 : memref<128x128xf32, #tpu.memory_space<vmem>>) target(%dma_start3A_213 : memref<128x128xf32, #tpu.memory_space<hbm>>) target_semaphore(%arg14 : memref<!tpu.dma_semaphore, #tpu.memory_space<semaphore_mem>>)
      %sub3A_214 = arith.constant 1 : i32
      %sub3A_215 = arith.subi %add3A_200, %sub3A_214 : i32
      %mul3A_216 = arith.constant 128 : i32
      %mul3A_217 = arith.muli %sub3A_215, %mul3A_216 : i32
      %add3A_218 = arith.addi %mul3A_4, %mul3A_217 : i32
      %dma_wait3A_219 = arith.constant 0 : i32
      %dma_wait3A_220 = tpu.memref_slice %arg4[%add3A_218, %dma_wait3A_219] : memref<819200x128xf32, #tpu.memory_space<hbm>> -> memref<128x128xf32, #tpu.memory_space<hbm>>
      %dma_wait3A_221 = arith.constant 0 : i32
      %dma_wait3A_222 = tpu.memref_slice %arg4[%add3A_218, %dma_wait3A_221] : memref<819200x128xf32, #tpu.memory_space<hbm>> -> memref<128x128xf32, #tpu.memory_space<hbm>>
      tpu.wait_dma2 semaphore(%arg13 : memref<!tpu.dma_semaphore, #tpu.memory_space<semaphore_mem>>) src(%arg7 : memref<128x128xf32, #tpu.memory_space<vmem>>) dst(%dma_wait3A_222 : memref<128x128xf32, #tpu.memory_space<hbm>>)
      %add3A_223 = arith.constant 2 : i32
      %add3A_224 = arith.addi %add3A_200, %add3A_223 : i32
      %lt3A_225 = arith.constant 200 : i32
      %lt3A_226 = arith.cmpi slt, %add3A_224, %lt3A_225 : i32
      %convert_element_type3A_227 = arith.extui %lt3A_226 : i1 to i32
      %cond3A_228 = arith.constant 0 : i32
      %cond3A_229 = arith.cmpi ne, %convert_element_type3A_227, %cond3A_228 : i32
      scf.if %cond3A_229 {
        %add3A_230 = arith.constant 2 : i32
        %add3A_231 = arith.addi %add3A_200, %add3A_230 : i32
        %dma_start3A_232 = arith.constant 0 : i32
        %dma_start3A_233 = tpu.memref_slice %arg5[%add3A_231, %dma_start3A_232] : memref<200x128xi32, #tpu.memory_space<vmem>> -> memref<1x128xi32, #tpu.memory_space<vmem>>
        %dma_start3A_234 = tpu.memref_squeeze %dma_start3A_233 : memref<1x128xi32, #tpu.memory_space<vmem>> -> memref<128xi32, #tpu.memory_space<vmem>>
        %dma_start3A_235 = arith.constant 0 : i32
        %dma_start3A_236 = arith.constant 0 : i32
        %dma_start3A_237 = tpu.memref_slice %arg2[%dma_start3A_235, %dma_start3A_236] : memref<1000000x128xf32, #tpu.memory_space<hbm>> -> memref<1000000x128xf32, #tpu.memory_space<hbm>>
        tpu.enqueue_indirect_dma source(%dma_start3A_237 : memref<1000000x128xf32, #tpu.memory_space<hbm>>) target(%arg7 : memref<128x128xf32, #tpu.memory_space<vmem>>) offsets(%dma_start3A_234 : memref<128xi32, #tpu.memory_space<vmem>>) semaphore(%arg10 : memref<!tpu.dma_semaphore, #tpu.memory_space<semaphore_mem>>)
      } else {
      }
    }
    %scan3A_93 = arith.constant 65 : i32
    %dma_wait3A_94 = arith.constant 198 : i32
    %dma_wait3A_95 = arith.constant 0 : i32
    %dma_wait3A_96 = tpu.memref_slice %arg5[%dma_wait3A_94, %dma_wait3A_95] : memref<200x128xi32, #tpu.memory_space<vmem>> -> memref<1x128xi32, #tpu.memory_space<vmem>>
    %dma_wait3A_97 = tpu.memref_squeeze %dma_wait3A_96 : memref<1x128xi32, #tpu.memory_space<vmem>> -> memref<128xi32, #tpu.memory_space<vmem>>
    %dma_wait3A_98 = arith.constant 0 : i32
    %dma_wait3A_99 = arith.constant 0 : i32
    %dma_wait3A_100 = tpu.memref_slice %arg2[%dma_wait3A_98, %dma_wait3A_99] : memref<1000000x128xf32, #tpu.memory_space<hbm>> -> memref<1000000x128xf32, #tpu.memory_space<hbm>>
    tpu.wait_indirect_dma semaphore(%arg9 : memref<!tpu.dma_semaphore, #tpu.memory_space<semaphore_mem>>) src(%dma_wait3A_100 : memref<1000000x128xf32, #tpu.memory_space<hbm>>) dst(%arg6 : memref<128x128xf32, #tpu.memory_space<vmem>>)
    %add3A_101 = arith.constant 25344 : i32
    %add3A_102 = arith.addi %mul3A_4, %add3A_101 : i32
    %dma_start3A_103 = arith.constant 0 : i32
    %dma_start3A_104 = tpu.memref_slice %arg4[%add3A_102, %dma_start3A_103] : memref<819200x128xf32, #tpu.memory_space<hbm>> -> memref<128x128xf32, #tpu.memory_space<hbm>>
    %dma_start3A_105 = arith.constant 0 : i32
    %dma_start3A_106 = tpu.memref_slice %arg4[%add3A_102, %dma_start3A_105] : memref<819200x128xf32, #tpu.memory_space<hbm>> -> memref<128x128xf32, #tpu.memory_space<hbm>>
    tpu.enqueue_dma source(%arg6 : memref<128x128xf32, #tpu.memory_space<vmem>>) target(%dma_start3A_106 : memref<128x128xf32, #tpu.memory_space<hbm>>) target_semaphore(%arg12 : memref<!tpu.dma_semaphore, #tpu.memory_space<semaphore_mem>>)
    %add3A_107 = arith.constant 25216 : i32
    %add3A_108 = arith.addi %mul3A_4, %add3A_107 : i32
    %dma_wait3A_109 = arith.constant 0 : i32
    %dma_wait3A_110 = tpu.memref_slice %arg4[%add3A_108, %dma_wait3A_109] : memref<819200x128xf32, #tpu.memory_space<hbm>> -> memref<128x128xf32, #tpu.memory_space<hbm>>
    %dma_wait3A_111 = arith.constant 0 : i32
    %dma_wait3A_112 = tpu.memref_slice %arg4[%add3A_108, %dma_wait3A_111] : memref<819200x128xf32, #tpu.memory_space<hbm>> -> memref<128x128xf32, #tpu.memory_space<hbm>>
    tpu.wait_dma2 semaphore(%arg14 : memref<!tpu.dma_semaphore, #tpu.memory_space<semaphore_mem>>) src(%arg8 : memref<128x128xf32, #tpu.memory_space<vmem>>) dst(%dma_wait3A_112 : memref<128x128xf32, #tpu.memory_space<hbm>>)
    %dma_wait3A_113 = arith.constant 199 : i32
    %dma_wait3A_114 = arith.constant 0 : i32
    %dma_wait3A_115 = tpu.memref_slice %arg5[%dma_wait3A_113, %dma_wait3A_114] : memref<200x128xi32, #tpu.memory_space<vmem>> -> memref<1x128xi32, #tpu.memory_space<vmem>>
    %dma_wait3A_116 = tpu.memref_squeeze %dma_wait3A_115 : memref<1x128xi32, #tpu.memory_space<vmem>> -> memref<128xi32, #tpu.memory_space<vmem>>
    %dma_wait3A_117 = arith.constant 0 : i32
    %dma_wait3A_118 = arith.constant 0 : i32
    %dma_wait3A_119 = tpu.memref_slice %arg2[%dma_wait3A_117, %dma_wait3A_118] : memref<1000000x128xf32, #tpu.memory_space<hbm>> -> memref<1000000x128xf32, #tpu.memory_space<hbm>>
    tpu.wait_indirect_dma semaphore(%arg10 : memref<!tpu.dma_semaphore, #tpu.memory_space<semaphore_mem>>) src(%dma_wait3A_119 : memref<1000000x128xf32, #tpu.memory_space<hbm>>) dst(%arg7 : memref<128x128xf32, #tpu.memory_space<vmem>>)
    %add3A_120 = arith.constant 25472 : i32
    %add3A_121 = arith.addi %mul3A_4, %add3A_120 : i32
    %dma_start3A_122 = arith.constant 0 : i32
    %dma_start3A_123 = tpu.memref_slice %arg4[%add3A_121, %dma_start3A_122] : memref<819200x128xf32, #tpu.memory_space<hbm>> -> memref<128x128xf32, #tpu.memory_space<hbm>>
    %dma_start3A_124 = arith.constant 0 : i32
    %dma_start3A_125 = tpu.memref_slice %arg4[%add3A_121, %dma_start3A_124] : memref<819200x128xf32, #tpu.memory_space<hbm>> -> memref<128x128xf32, #tpu.memory_space<hbm>>
    tpu.enqueue_dma source(%arg7 : memref<128x128xf32, #tpu.memory_space<vmem>>) target(%dma_start3A_125 : memref<128x128xf32, #tpu.memory_space<hbm>>) target_semaphore(%arg13 : memref<!tpu.dma_semaphore, #tpu.memory_space<semaphore_mem>>)
    %add3A_126 = arith.constant 25344 : i32
    %add3A_127 = arith.addi %mul3A_4, %add3A_126 : i32
    %dma_wait3A_128 = arith.constant 0 : i32
    %dma_wait3A_129 = tpu.memref_slice %arg4[%add3A_127, %dma_wait3A_128] : memref<819200x128xf32, #tpu.memory_space<hbm>> -> memref<128x128xf32, #tpu.memory_space<hbm>>
    %dma_wait3A_130 = arith.constant 0 : i32
    %dma_wait3A_131 = tpu.memref_slice %arg4[%add3A_127, %dma_wait3A_130] : memref<819200x128xf32, #tpu.memory_space<hbm>> -> memref<128x128xf32, #tpu.memory_space<hbm>>
    tpu.wait_dma2 semaphore(%arg12 : memref<!tpu.dma_semaphore, #tpu.memory_space<semaphore_mem>>) src(%arg6 : memref<128x128xf32, #tpu.memory_space<vmem>>) dst(%dma_wait3A_131 : memref<128x128xf32, #tpu.memory_space<hbm>>)
    %add3A_132 = arith.constant 25472 : i32
    %add3A_133 = arith.addi %mul3A_4, %add3A_132 : i32
    %dma_wait3A_134 = arith.constant 0 : i32
    %dma_wait3A_135 = tpu.memref_slice %arg4[%add3A_133, %dma_wait3A_134] : memref<819200x128xf32, #tpu.memory_space<hbm>> -> memref<128x128xf32, #tpu.memory_space<hbm>>
    %dma_wait3A_136 = arith.constant 0 : i32
    %dma_wait3A_137 = tpu.memref_slice %arg4[%add3A_133, %dma_wait3A_136] : memref<819200x128xf32, #tpu.memory_space<hbm>> -> memref<128x128xf32, #tpu.memory_space<hbm>>
    tpu.wait_dma2 semaphore(%arg13 : memref<!tpu.dma_semaphore, #tpu.memory_space<semaphore_mem>>) src(%arg7 : memref<128x128xf32, #tpu.memory_space<vmem>>) dst(%dma_wait3A_137 : memref<128x128xf32, #tpu.memory_space<hbm>>)
    return
  }
}

</mosaic_0001>

<sc_bundles>
// kernel: kernel.3.cloned.1.call-start
scs
__scs_entry_jumppad:
0x0: {  	(pc) =	sbr.rel $0x88, $3  }
0x1: {  	(tag) =	ssettag $0x0;
	lr =	simm.s32 $0x1  }
0x2: {  	[smem:$0x3F9E] =	sst lr;
	_ =	strace $0xD0000000  }
0x3: {  	_ = 	snop  }
0x4: {  	_ = 	snop  }
0x5: {  	_ = 	snop  }
0x6: {  	_ = 	snop  }
0x7: {  	_ = 	snop  }
__scs_overlays_trampoline_lowered:
0x8: {  	[smem:$0x3FAD] =	sst s0  }
0x9: {  	[smem:$0x3FAE] =	sst s1  }
0xa: {  	[smem:$0x3FAF] =	sst s2  }
0xb: {  	[smem:$0x3FB0] =	sst s3  }
0xc: {  	[smem:$0x3FB1] =	sst s4  }
0xd: {  	[smem:$0x3FB2] =	sst s5  }
0xe: {  	[smem:$0x3FB3] =	sst s6  }
0xf: {  	[smem:$0x3FB4] =	sst s7  }
0x10: {  	[smem:$0x3FB5] =	sst s8  }
0x11: {  	[smem:$0x3FB6] =	sst s9;
	s0 =	simm.s32 @!p0 $0x0  }
0x12: {  	s1 =	sld [smem:$0x3F9C];
	s0 =	simm.s32 @p0 $0x1  }
0x13: {  	[smem:$0x3FB7] =	sst s0;
	s0 =	simm.s32 @!p1 $0x0  }
0x14: {  	s2 =	sld [smem:$0x3F9B];
	s0 =	simm.s32 @p1 $0x1  }
0x15: {  	[smem:$0x3FB8] =	sst s0;
	s0 =	simm.s32 @!p2 $0x0  }
0x16: {  	s3 =	sld [smem:$0x3FDB];
	s0 =	simm.s32 @p2 $0x1  }
0x17: {  	s4 =	simm.s32 $0x1BF5;
	[smem:$0x3FBA] =	sst s0  }
0x18: {  	s0 =	sld [smem:$0x3F9D];
	_ =	swait.ge [sflag:s4], $0x0  }
0x19: {  	s7 =	sld [smem:$0x3F9E]  }
0x1a: {  	s8 =	sadd.s32 $0xFFFFE003, lr  }
0x1b: {  	s9 =	sadd.s32 $0xFFFFFEF7, lr;
	s5 =	simm.s32 $0xFFFFFFFF;
	p2 =	slt.u32 s8, $0xFFFFF086  }
0x1c: {  	p1 =	slt.u32 s9, $0xF7A;
	s5 =	simm.s32 @!p2 $0x0  }
0x1d: {  	s5 =	simm.s32 @p1 $0x1;
	p0 =	seq.s32 s7, s2  }
0x1e: {  	s7 =	smul.u32 @!p0 $0xF7A, s2;
	p2 =	seq.s32 @!p0 s5, $0x0  }
0x1f: {  	s9 =	smul.u32 $0xF7A, s1;
	s8 =	simm.s32 @!p0 $0x1BF5;
	p2 =	por !p2, p0  }
0x20: {  	[sflag:s8] =	ssyncset.s32 @!p0 $0xFFFFF086;
	s6 =	sadd.s32 @!p0 s3, s7;
	s7 =	simm.s32 @!p0 $0x108  }
0x21: {  	s3 =	sadd.s32 s3, s9;
	s6 =	sadd.s32 @!p0 $0x88, s6;
	s7 =	simm.s32 @p2 $0x1082  }
0x22: {  	[simem:s7], [sflag:s8] =	dma.local @!p0 [hbm:s6], $0xF7A  }
0x23: {  	s9 =	sor.u32 $0xD0000000, s2;
	s6 =	simm.s32 $0x108;
	_ =	swait.ge @!p0 [sflag:s8], $0x0  }
0x24: {  	s3 =	sadd.s32 $0x88, s3;
	s6 =	simm.s32 @!p1 $0x1082;
	[sflag:s4] =	ssyncset.s32 $0xFFFFF086  }
0x25: {  	[simem:s6], [sflag:s4] =	dma.local [hbm:s3], $0xF7A  }
0x26: {  	[smem:$0x3F9E] =	sst s1;
	(tag) =	ssettag s2;
	_ =	strace s9  }
0x27: {  	s1 =	sld [smem:$0x3FAE]  }
0x28: {  	s2 =	sld [smem:$0x3FAF]  }
0x29: {  	s4 =	sld [smem:$0x3FB1]  }
0x2a: {  	p0 =	seq.s32 s5, $0x0;
	s5 =	sld [smem:$0x3FB2]  }
0x2b: {  	s6 =	sld [smem:$0x3FB3]  }
0x2c: {  	s7 =	sld [smem:$0x3FB4]  }
0x2d: {  	s3 =	simm.s32 $0x108;
	s8 =	sld [smem:$0x3FB5]  }
0x2e: {  	s3 =	simm.s32 @!p0 $0x1082;
	s9 =	sld [smem:$0x3FB6]  }
0x2f: {  	lr =	sadd.s32 s0, s3;
	s0 =	sld [smem:$0x3FAD]  }
0x30: {  	s3 =	sld [smem:$0x3FB0]  }
0x31: {  	[smem:$0x3FB9] =	sst s10  }
0x32: {  	s10 =	sld [smem:$0x3FB7];
	_ =	sdelay $0x3  }
0x33: {  	p0 =	seq.s32 s10, $0x1;
	s10 =	sld [smem:$0x3FB9];
	_ =	sdelay $0x3  }
0x34: {  	[smem:$0x3FB9] =	sst s10  }
0x35: {  	s10 =	sld [smem:$0x3FB8];
	_ =	sdelay $0x3  }
0x36: {  	p1 =	seq.s32 s10, $0x1;
	s10 =	sld [smem:$0x3FB9];
	_ =	sdelay $0x3  }
0x37: {  	[smem:$0x3FB9] =	sst s10  }
0x38: {  	s10 =	sld [smem:$0x3FBA]  }
0x39: {  	_ = 	snop;
	(pc) =	sbr.ind lr, $3  }
0x3a: {  	_ = 	snop  }
0x3b: {  	_ = 	snop  }
0x3c: {  	p2 =	seq.s32 s10, $0x1;
	s10 =	sld [smem:$0x3FB9]  }
0x3d: {  	_ =	shalt  }
0x3e: {  	_ =	shalt  }
0x3f: {  	_ =	shalt  }
0x40: {  	_ =	shalt  }
0x41: {  	_ =	shalt  }
0x42: {  	_ =	shalt  }
0x43: {  	_ =	shalt  }
0x44: {  	_ =	shalt  }
0x45: {  	_ =	shalt  }
0x46: {  	_ =	shalt  }
0x47: {  	_ =	shalt  }
0x48: {  	_ =	shalt  }
0x49: {  	_ =	shalt  }
0x4a: {  	_ =	shalt  }
0x4b: {  	_ =	shalt  }
0x4c: {  	_ =	shalt  }
0x4d: {  	_ =	shalt  }
0x4e: {  	_ =	shalt  }
0x4f: {  	_ =	shalt  }
0x50: {  	_ =	shalt  }
0x51: {  	_ =	shalt  }
0x52: {  	_ =	shalt  }
0x53: {  	_ =	shalt  }
0x54: {  	_ =	shalt  }
0x55: {  	_ =	shalt  }
0x56: {  	_ =	shalt  }
0x57: {  	_ =	shalt  }
0x58: {  	_ =	shalt  }
0x59: {  	_ =	shalt  }
0x5a: {  	_ =	shalt  }
0x5b: {  	_ =	shalt  }
0x5c: {  	_ =	shalt  }
0x5d: {  	_ =	shalt  }
0x5e: {  	_ =	shalt  }
0x5f: {  	_ =	shalt  }
0x60: {  	_ =	shalt  }
0x61: {  	_ =	shalt  }
0x62: {  	_ =	shalt  }
0x63: {  	_ =	shalt  }
0x64: {  	_ =	shalt  }
0x65: {  	_ =	shalt  }
0x66: {  	_ =	shalt  }
0x67: {  	_ =	shalt  }
0x68: {  	_ =	shalt  }
0x69: {  	_ =	shalt  }
0x6a: {  	_ =	shalt  }
0x6b: {  	_ =	shalt  }
0x6c: {  	_ =	shalt  }
0x6d: {  	_ =	shalt  }
0x6e: {  	_ =	shalt  }
0x6f: {  	_ =	shalt  }
0x70: {  	_ =	shalt  }
0x71: {  	_ =	shalt  }
0x72: {  	_ =	shalt  }
0x73: {  	_ =	shalt  }
0x74: {  	_ =	shalt  }
0x75: {  	_ =	shalt  }
0x76: {  	_ =	shalt  }
0x77: {  	_ =	shalt  }
0x78: {  	_ =	shalt  }
0x79: {  	_ =	shalt  }
0x7a: {  	_ =	shalt  }
0x7b: {  	_ =	shalt  }
0x7c: {  	_ =	shalt  }
0x7d: {  	_ =	shalt  }
0x7e: {  	_ =	shalt  }
0x7f: {  	_ =	shalt  }
0x80: {  	_ =	shalt  }
0x81: {  	_ =	shalt  }
0x82: {  	_ =	shalt  }
0x83: {  	_ =	shalt  }
0x84: {  	_ =	shalt  }
0x85: {  	_ =	shalt  }
0x86: {  	_ =	shalt  }
0x87: {  	_ =	shalt  }
.Lfunc_end0:
.L_simem_size_0:
called_computation.1_lowered:
.L_overlay_start_0:
0x88: {  	s2 =	sld [smem:$0x3FD9]  }
0x89: {  	s3 =	sld [smem:$0x3FFE];
	_ =	sdelay $0x1  }
0x8a: {  	s1 =	srdreg.scid  }
0x8b: {  	s0 =	sand.u32 $0x1, s1  }
0x8c: {  	s14 =	sshll.u32 s0, $0xA;
	s2 =	sadd.s32 s3, s2  }
0x8d: {  	s2 =	sadd.s32 s2, s14  }
0x8e: {  	[smem:$0x3FC5] =	sst s2  }
0x8f: {  	_ = 	snop  }
0x90: {  	s2 =	sld [smem:$0x3FD0];
	_ =	sdelay $0x2  }
0x91: {  	s15 =	simm.s32 $0xA;
	s4 =	simm.s32 $0x10  }
0x92: {  	[smem:s4], [sflag:s15] =	dma.local [hbm:s2], $0x1  }
0x93: {  	_ =	swait.eq [sflag:s15], $0x1  }
0x94: {  	[sflag:s15] =	ssyncset.done $0x0  }
0x95: {  	[sflag:s15] =	ssyncadd.s32 $0xFFFFFFFF  }
0x96: {  	s16 =	sld [smem:$0x11];
	(tm) =	ssettm $0x1  }
0x97: {  	s17 =	sld [smem:$0x3FFB];
	_ =	sdelay $0x3  }
0x98: {  	_ =	strace s17  }
0x99: {  	s3 =	sld [smem:$0x3FFC];
	_ =	sdelay $0x3  }
0x9a: {  	_ =	strace s3  }
0x9b: {  	s3 =	sld [smem:$0x3FFD];
	_ =	sdelay $0x3  }
0x9c: {  	_ =	strace s3  }
0x9d: {  	_ =	strace $0x8FFFFFFF  }
0x9e: {  	s18 =	sld [smem:$0x3FDB];
	_ =	sdelay $0x1  }
0x9f: {  	s19 =	simm.s32 $_scs_section_size  }
0xa0: {  	s5 =	simm.s32 $_size__tile_overlayer_lowered;
	s6 =	simm.s32 $_tile_overlayer_lowered  }
0xa1: {  	s22 =	simm.s32 $0x1BFF;
	s21 =	sshll.u32 s6, $0x1;
	s3 =	sadd.s32 s19, s18  }
0xa2: {  	s7 =	simm.s32 $0x0;
	s20 =	sshll.u32 s5, $0x1;
	s5 =	sadd.s32 s21, s3  }
0xa3: {  	[timem:s7], [sflag:s22] =	dma.local [hbm:s5], s20  }
0xa4: {  	_ =	swait.ge [sflag:s22], s20  }
0xa5: {  	s4 =	ssub.s32 $0x0, s20;
	[sflag:s22] =	ssyncset.done $0x0  }
0xa6: {  	[sflag:s22] =	ssyncadd.s32 s4;
	_ =	sdelay $0x1  }
0xa7: {  	s23 =	simm.s32 $0x1B8B  }
0xa8: {  	_ =	swait.ge [sflag:s23], $0x1  }
0xa9: {  	[sflag:s23] =	ssyncset.done $0x0  }
0xaa: {  	s25 =	simm.s32 $0x1B8E;
	s24 =	sld [smem:$0x3FFE];
	[sflag:s23] =	ssyncadd.s32 $0xFFFFFFFF  }
0xab: {  	s26 =	simm.s32 $execute0_lowered;
	[smem:$0x3FD2] =	sst s25  }
0xac: {  	s5 =	sshll.u32 s26, $0x1;
	_ =	strace $0x80000046;
	[dreg:$0x1] =	wrdreg $0xFFFFFFFF  }
0xad: {  	s28 =	simm.s32 $_size_execute0_lowered;
	s3 =	sadd.s32 s3, s5;
	[dreg:$0x0] =	wrdreg $0x0  }
0xae: {  	s5 =	sshll.u32 s28, $0x1;
	[dreg:$0x2] =	wrdreg s3  }
0xaf: {  	[dreg:$0x3] =	wrdreg s5  }
0xb0: {  	[dreg:$0x4] =	wrdreg $0xC0  }
0xb1: {  	_ =	task [dreg:s7], $0x5FFFF  }
0xb2: {  	[dreg:$0x1] =	wrdreg $0xFFFFFFFF  }
0xb3: {  	[dreg:$0x0] =	wrdreg $0x60  }
0xb4: {  	[dreg:$0x2] =	wrdreg s24  }
0xb5: {  	[dreg:$0x3] =	wrdreg s16  }
0xb6: {  	[dreg:$0x4] =	wrdreg $0x9  }
0xb7: {  	_ =	task.clear_ibuf [dreg:s7], $0x5FFFF;
	_ =	strace $0x90000046  }
0xb8: {  	s29 =	simm.s32 $0x9;
	_ =	strace $0x80000048  }
0xb9: {  	_ =	swait.ge [sflag:s29], $0x1  }
0xba: {  	[sflag:s29] =	ssyncadd.s32 $0xFFFFFFFF  }
0xbb: {  	_ =	strace $0x90000048  }
0xbc: {  	_ =	sfence  }
0xbd: {  	s30 =	sld [smem:$0x0];
	_ =	sdelay $0x2  }
0xbe: {  	s31 =	sshll.u32 s1, $0xD;
	s1 =	sshrl.u32 s1, $0x2  }
0xbf: {  	s3 =	sand.u32 $0x4000, s31;
	s1 =	sadd.s32 s1, s30  }
0xc0: {  	s0 =	sor.u32 s3, s0;
	s1 =	sshll.u32 s1, $0x11  }
0xc1: {  	s0 =	sor.u32 s1, s0  }
0xc2: {  	s0 =	sadd.s32 $0x8F2B, s0  }
0xc3: {  	[sflag:s0] =	ssyncadd.remote.s32 $0x1  }
0xc4: {  	_ =	sfence.sel $0xFFFF  }
0xc5: {  	[dreg:$0x0] =	wrdreg $0xFFFFFFFF;
	(pc) =	sbr.abs _section_cstart, $3  }
0xc6: {  	[dreg:$0x1] =	wrdreg $0xFFFFFFFF  }
0xc7: {  	_ =	task.clear_ibuf [dreg:s7], $0x2FFFF;
	_ =	strace $0x9FFFFFFF  }
0xc8: {  	(tm) =	ssettm $0x7FFFFFFF  }
0xc9: {  	_ =	shalt  }
tec
execute0_lowered:
.L_overlay_start_1:
0x0: {  	(tag) =	ssettag $0x1  }
0x1: {  	s4 =	rddreg [dreg:$0x0]  }
0x2: {  	s5 =	rddreg [dreg:$0x1]  }
0x3: {  	s3 =	srdreg.scid;
	s0 =	stileid.u32;
	s2 =	simm.s32 $0x0  }
0x4: {  	s16 =	simm.s32 $0xA400;
	s17 =	simm.s32 $0x1;
	s18 =	simm.s32 $0x100  }
0x5: {  	s19 =	simm.s32 $0xE400;
	s20 =	simm.s32 $0x2;
	s21 =	simm.s32 $0x4  }
0x6: {  	s22 =	simm.s32 $0x180;
	s28 =	simm.s32 $0x0;
	s26 =	smul.u32 $0x640000, s0  }
0x7: {  	s9 =	sand.u32 $0x1, s3;
	s23 =	sshll.u32 s0, $0x1;
	s14 =	smul.u32 $0xC8000, s0  }
0x8: {  	[smem:$0x7FF] =	sst s2;
	s3 =	sadd.s32 $0xF43000, s4;
	s29 =	smul.u32 $0x320000, s9  }
0x9: {  	s12 =	sadd.s32 $0xC00, s4;
	s6 =	sor.u32 s9, s23;
	s15 =	smul.u32 $0x64000, s9  }
0xa: {  	_ =	strace $0x80000047;
	s8 =	ssub.s32 $0x2, s9;
	s7 =	smul.u32 $0x6400, s6  }
0xb: {  	s23 =	simm.s32 $0x3;
	s10 =	smul.u32 $0x64000, s6;
	s24 =	sshrl.u32 s8, $0x1  }
0xc: {  	s11 =	smul.u32 $0x320000, s6;
	s30 =	sadd.s32 s14, s12;
	s14 =	simm.s32 $0x80  }
0xd: {  	s13 =	ssub.s32 s8, s24;
	s24 =	simm.s32 $0x5;
	s25 =	sshrl.u32 s7, $0x3  }
0xe: {  	s11 =	sshrl.u32 s11, $0x3;
	s4 =	sadd.s32 s5, s25;
	s5 =	sadd.s32 s12, s10  }
0xf: {  	s11 =	sadd.s32 s12, s11;
	s10 =	sadd.s32 s29, s26;
	s25 =	simm.s32 $0x200  }
0x10: {  	s26 =	simm.s32 $0x6;
	s6 =	sadd.s32 $0x800, s5;
	s7 =	sadd.s32 $0x1000, s5  }
0x11: {  	s8 =	sadd.s32 $0x63000, s11;
	s10 =	sor.u32 $0x14000, s10;
	s9 =	sadd.s32 $0x63800, s11  }
0x12: {  	s11 =	sadd.s32 s15, s30;
	s15 =	simm.s32 $0x6400;
	s31 =	sshrl.u32 s10, $0x3  }
0x13: {  	s10 =	smax.u32 s13, $0x1;
	s13 =	simm.s32 $0x7;
	s12 =	sadd.s32 s31, s12  }
.LBB2_1:
0x14: {  	[tilespmem:s2], [sflag:$0x7] =	stream.linear.gather [hbm4b:s4+s2], $0x6400, $0x38;
	[tilespmem:$0x12400] =	vst v63  }
0x15: {  	_ =	swait.ge [sflag:s13], $0x6400  }
0x16: {  	[sflag:s13] =	ssyncset.done $0x0  }
0x17: {  	[sflag:s13] =	ssyncadd.s32 $0xFFFF9C00  }
0x18: {  	[tilespmem:s15], [sflag:$0x1] =	stream.indirect.gather [hbm4b:s3+s14], $0x80, s2, s14, $0xb8;
	[tilespmem:$0x12400] =	vst v63  }
0x19: {  	_ = 	snop  }
0x1a: {  	[tilespmem:s16], [sflag:$0x2] =	stream.indirect.gather [hbm4b:s3+s14], $0x80, s14, s14, $0xb8;
	[tilespmem:$0x12400] =	vst v63  }
0x1b: {  	_ =	swait.ge [sflag:s17], $0x4000  }
0x1c: {  	[sflag:s17] =	ssyncset.done $0x0  }
0x1d: {  	[sflag:s17] =	ssyncadd.s32 $0xFFFFC000  }
0x1e: {  	[hbm4b:s5+s2] =	stream.linear.scatter [tilespmem:s15], [sflag:$0x4], $0x4000, $0x38;
	[tilespmem:$0x12400] =	vst v63  }
0x1f: {  	_ = 	snop  }
0x20: {  	[tilespmem:s19], [sflag:$0x3] =	stream.indirect.gather [hbm4b:s3+s14], $0x80, s18, s14, $0xb8;
	[tilespmem:$0x12400] =	vst v63  }
0x21: {  	_ =	swait.ge [sflag:s20], $0x4000  }
0x22: {  	[sflag:s20] =	ssyncset.done $0x0  }
0x23: {  	[sflag:s20] =	ssyncadd.s32 $0xFFFFC000  }
0x24: {  	[hbm4b:s6+s2] =	stream.linear.scatter [tilespmem:s16], [sflag:$0x5], $0x4000, $0x38;
	[tilespmem:$0x12400] =	vst v63  }
0x25: {  	_ =	swait.ge [sflag:s21], $0x4000  }
0x26: {  	[sflag:s21] =	ssyncset.done $0x0  }
0x27: {  	[sflag:s21] =	ssyncadd.s32 $0xFFFFC000  }
0x28: {  	[tilespmem:s15], [sflag:$0x1] =	stream.indirect.gather [hbm4b:s3+s14], $0x80, s22, s14, $0xb8;
	[tilespmem:$0x12400] =	vst v63  }
0x29: {  	_ =	swait.ge [sflag:s23], $0x4000  }
0x2a: {  	[sflag:s23] =	ssyncset.done $0x0  }
0x2b: {  	[sflag:s23] =	ssyncadd.s32 $0xFFFFC000  }
0x2c: {  	[hbm4b:s7+s2] =	stream.linear.scatter [tilespmem:s19], [sflag:$0x6], $0x4000, $0x38;
	[tilespmem:$0x12400] =	vst v63  }
0x2d: {  	_ =	swait.ge [sflag:s24], $0x4000  }
0x2e: {  	[sflag:s24] =	ssyncset.done $0x0  }
0x2f: {  	[sflag:s24] =	ssyncadd.s32 $0xFFFFC000  }
0x30: {  	[tilespmem:s16], [sflag:$0x2] =	stream.indirect.gather [hbm4b:s3+s14], $0x80, s25, s14, $0xb8;
	[tilespmem:$0x12400] =	vst v63  }
0x31: {  	_ =	swait.ge [sflag:s17], $0x4000  }
0x32: {  	s29 =	sadd.s32 $0x0, s11;
	[sflag:s17] =	ssyncset.done $0x0  }
0x33: {  	s30 =	sadd.s32 $0x1800, s29;
	[sflag:s17] =	ssyncadd.s32 $0xFFFFC000  }
0x34: {  	[hbm4b:s30+s2] =	stream.linear.scatter [tilespmem:s15], [sflag:$0x4], $0x4000, $0x38;
	[tilespmem:$0x12400] =	vst v63  }
0x35: {  	_ =	swait.ge [sflag:s26], $0x4000  }
0x36: {  	[sflag:s26] =	ssyncset.done $0x0  }
0x37: {  	s30 =	simm.s32 $0x280;
	[sflag:s26] =	ssyncadd.s32 $0xFFFFC000  }
0x38: {  	[tilespmem:s19], [sflag:$0x3] =	stream.indirect.gather [hbm4b:s3+s14], $0x80, s30, s14, $0xb8;
	[tilespmem:$0x12400] =	vst v63  }
0x39: {  	_ =	swait.ge [sflag:s20], $0x4000  }
0x3a: {  	[sflag:s20] =	ssyncset.done $0x0  }
0x3b: {  	s29 =	sadd.s32 $0x2000, s29;
	[sflag:s20] =	ssyncadd.s32 $0xFFFFC000  }
0x3c: {  	[hbm4b:s29+s2] =	stream.linear.scatter [tilespmem:s16], [sflag:$0x5], $0x4000, $0x38;
	[tilespmem:$0x12400] =	vst v63  }
0x3d: {  	_ =	swait.ge [sflag:s21], $0x4000  }
0x3e: {  	[sflag:s21] =	ssyncset.done $0x0  }
0x3f: {  	s29 =	simm.s32 $0x300;
	[sflag:s21] =	ssyncadd.s32 $0xFFFFC000  }
0x40: {  	[tilespmem:s15], [sflag:$0x1] =	stream.indirect.gather [hbm4b:s3+s14], $0x80, s29, s14, $0xb8;
	[tilespmem:$0x12400] =	vst v63  }
0x41: {  	_ =	swait.ge [sflag:s23], $0x4000  }
0x42: {  	[sflag:s23] =	ssyncset.done $0x0  }
0x43: {  	s29 =	sadd.s32 $0x0, s12;
	[sflag:s23] =	ssyncadd.s32 $0xFFFFC000  }
0x44: {  	[hbm4b:s29+s2] =	stream.linear.scatter [tilespmem:s19], [sflag:$0x6], $0x4000, $0x38;
	[tilespmem:$0x12400] =	vst v63  }
0x45: {  	_ =	swait.ge [sflag:s24], $0x4000  }
0x46: {  	s31 =	simm.s32 $0x380;
	[sflag:s24] =	ssyncset.done $0x0  }
0x47: {  	s30 =	simm.s32 $0x400;
	s29 =	simm.s32 $0x1800;
	[sflag:s24] =	ssyncadd.s32 $0xFFFFC000  }
.LBB2_2:
0x48: {  	[tilespmem:s16], [sflag:$0x2] =	stream.indirect.gather [hbm4b:s3+s14], $0x80, s31, s14, $0xb8;
	[tilespmem:$0x12400] =	vst v63  }
0x49: {  	s31 =	smov.u32 s29  }
0x4a: {  	p0 =	sne.s32 s29, $0x60000;
	s29 =	sadd.s32 $0x1800, s29;
	_ =	swait.ge [sflag:s17], $0x4000  }
0x4b: {  	s0 =	sadd.s32 s31, s11;
	[sflag:s17] =	ssyncset.done $0x0  }
0x4c: {  	s1 =	sadd.s32 $0x1800, s0;
	[sflag:s17] =	ssyncadd.s32 $0xFFFFC000  }
0x4d: {  	[hbm4b:s1+s2] =	stream.linear.scatter [tilespmem:s15], [sflag:$0x4], $0x4000, $0x38;
	[tilespmem:$0x12400] =	vst v63  }
0x4e: {  	_ =	swait.ge [sflag:s26], $0x4000  }
0x4f: {  	[sflag:s26] =	ssyncset.done $0x0  }
0x50: {  	[sflag:s26] =	ssyncadd.s32 $0xFFFFC000  }
0x51: {  	[tilespmem:s19], [sflag:$0x3] =	stream.indirect.gather [hbm4b:s3+s14], $0x80, s30, s14, $0xb8;
	[tilespmem:$0x12400] =	vst v63  }
0x52: {  	_ =	swait.ge [sflag:s20], $0x4000  }
0x53: {  	[sflag:s20] =	ssyncset.done $0x0  }
0x54: {  	s0 =	sadd.s32 $0x2000, s0;
	[sflag:s20] =	ssyncadd.s32 $0xFFFFC000  }
0x55: {  	[hbm4b:s0+s2] =	stream.linear.scatter [tilespmem:s16], [sflag:$0x5], $0x4000, $0x38;
	[tilespmem:$0x12400] =	vst v63  }
0x56: {  	_ =	swait.ge [sflag:s21], $0x4000  }
0x57: {  	[sflag:s21] =	ssyncset.done $0x0  }
0x58: {  	s0 =	sadd.s32 $0x80, s30;
	[sflag:s21] =	ssyncadd.s32 $0xFFFFC000  }
0x59: {  	[tilespmem:s15], [sflag:$0x1] =	stream.indirect.gather [hbm4b:s3+s14], $0x80, s0, s14, $0xb8;
	[tilespmem:$0x12400] =	vst v63  }
0x5a: {  	_ =	swait.ge [sflag:s23], $0x4000  }
0x5b: {  	[sflag:s23] =	ssyncset.done $0x0  }
.Ltmp0:
0x5c: {  	s0 =	sadd.s32 s31, s12;
	[sflag:s23] =	ssyncadd.s32 $0xFFFFC000;
	(pc) =	sbr.rel @p0 .LBB2_2-.Ltmp0, $4  }
0x5d: {  	[hbm4b:s0+s2] =	stream.linear.scatter [tilespmem:s19], [sflag:$0x6], $0x4000, $0x38;
	[tilespmem:$0x12400] =	vst v63  }
0x5e: {  	_ =	swait.ge [sflag:s24], $0x4000  }
0x5f: {  	[sflag:s24] =	ssyncset.done $0x0  }
0x60: {  	s31 =	sadd.s32 $0x100, s30;
	s30 =	sadd.s32 $0x180, s30;
	[sflag:s24] =	ssyncadd.s32 $0xFFFFC000  }
0x61: {  	[tilespmem:s16], [sflag:$0x2] =	stream.indirect.gather [hbm4b:s3+s14], $0x80, s31, s14, $0xb8;
	[tilespmem:$0x12400] =	vst v63  }
0x62: {  	_ =	swait.ge [sflag:s17], $0x4000  }
0x63: {  	[sflag:s17] =	ssyncset.done $0x0  }
0x64: {  	[sflag:s17] =	ssyncadd.s32 $0xFFFFC000  }
0x65: {  	[hbm4b:s8+s2] =	stream.linear.scatter [tilespmem:s15], [sflag:$0x4], $0x4000, $0x38;
	[tilespmem:$0x12400] =	vst v63  }
0x66: {  	_ =	swait.ge [sflag:s26], $0x4000  }
0x67: {  	[sflag:s26] =	ssyncset.done $0x0  }
0x68: {  	[sflag:s26] =	ssyncadd.s32 $0xFFFFC000  }
0x69: {  	_ =	swait.ge [sflag:s20], $0x4000  }
0x6a: {  	[sflag:s20] =	ssyncset.done $0x0  }
0x6b: {  	s28 =	sadd.s32 $0x1, s28;
	[sflag:s20] =	ssyncadd.s32 $0xFFFFC000  }
0x6c: {  	[hbm4b:s9+s2] =	stream.linear.scatter [tilespmem:s16], [sflag:$0x5], $0x4000, $0x38;
	[tilespmem:$0x12400] =	vst v63  }
0x6d: {  	p0 =	sne.s32 s28, s10;
	_ =	swait.ge [sflag:s21], $0x4000  }
.Ltmp1:
0x6e: {  	[sflag:s21] =	ssyncset.done $0x0;
	(pc) =	sbr.rel @p0 .LBB2_1-.Ltmp1, $4  }
0x6f: {  	[sflag:s21] =	ssyncadd.s32 $0xFFFFC000  }
0x70: {  	_ =	swait.ge [sflag:s24], $0x4000  }
0x71: {  	[sflag:s24] =	ssyncset.done $0x0  }
0x72: {  	[sflag:s24] =	ssyncadd.s32 $0xFFFFC000  }
0x73: {  	_ =	sfence.sel $0x180000  }
0x74: {  	[bflag:$0x0] =	sbarrier.arrive $0xFFFF  }
0x75: {  	_ =	strace $0x90000047  }
0x76: {  	s0 =	stileid.u32;
	[bflag:$0x2] =	sbarrier.arrive $0xFFFF  }
0x77: {  	p0 =	sne.s32 s0, $0x0;
	s0 =	rddreg [dreg:$0x2]  }
0x78: {  	s0 =	sadd.s32 @!p0 $0x100000, s0  }
0x79: {  	[sflag:s0] =	ssyncadd.tile.s32 @!p0 $0x1;
	_ =	shalt  }
.Lfunc_end2:
_tile_overlayer_lowered:
.L_overlay_start_2:
0x7a: {  	(tag) =	ssettag $0x2  }
0x7b: {  	s0 =	rddreg [dreg:$0x0];
	s2 =	stileid.u32  }
0x7c: {  	s1 =	rddreg [dreg:$0x1];
	p0 =	sne.s32 s2, $0x0  }
0x7d: {  	s3 =	rddreg [dreg:$0x2];
	[bflag:$0x3] =	sbarrier.arrive $0xFFFF;
	s2 =	simm.s32 @!p0 $0x1C07  }
0x7e: {  	[timem:s3], [sflag:s2] =	dma.local @!p0 [hbm:s0], s1  }
0x7f: {  	s0 =	simm.s32 @!p0 $0x7  }
0x80: {  	_ =	swait.ge @!p0 [sflag:s0], s1  }
0x81: {  	s1 =	ssub.s32 @!p0 $0x0, s1;
	[sflag:s0] =	ssyncset.done @!p0 $0x0  }
0x82: {  	[sflag:s0] =	ssyncadd.s32 @!p0 s1  }
0x83: {  	[bflag:$0x3] =	sbarrier.arrive $0xFFFF  }
0x84: {  	_ =	shalt  }

// kernel: sparse-core-data-format-call.cloned.1.call-start
scs
called_computation_lowered:
.L_overlay_start_0:
0x0: {  	s2 =	sld [smem:$0x3FD9]  }
0x1: {  	s3 =	sld [smem:$0x3FFE];
	_ =	sdelay $0x1  }
0x2: {  	s1 =	srdreg.scid  }
0x3: {  	s0 =	sand.u32 $0x1, s1  }
0x4: {  	s15 =	sshll.u32 s0, $0xA;
	s2 =	sadd.s32 s3, s2  }
0x5: {  	s2 =	sadd.s32 s2, s15  }
0x6: {  	[smem:$0x3FC5] =	sst s2  }
0x7: {  	_ = 	snop  }
0x8: {  	s2 =	sld [smem:$0x3FD0];
	_ =	sdelay $0x2  }
0x9: {  	s16 =	simm.s32 $0xA;
	s4 =	simm.s32 $0x10  }
0xa: {  	[smem:s4], [sflag:s16] =	dma.local [hbm:s2], $0x1  }
0xb: {  	_ =	swait.eq [sflag:s16], $0x1  }
0xc: {  	[sflag:s16] =	ssyncset.done $0x0  }
0xd: {  	[sflag:s16] =	ssyncadd.s32 $0xFFFFFFFF  }
0xe: {  	s17 =	sld [smem:$0x10];
	(tm) =	ssettm $0x1  }
0xf: {  	s18 =	sld [smem:$0x3FFB];
	_ =	sdelay $0x3  }
0x10: {  	_ =	strace s18  }
0x11: {  	s3 =	sld [smem:$0x3FFC];
	_ =	sdelay $0x3  }
0x12: {  	_ =	strace s3  }
0x13: {  	s3 =	sld [smem:$0x3FFD];
	_ =	sdelay $0x3  }
0x14: {  	_ =	strace s3  }
0x15: {  	_ =	strace $0x8FFFFFFF  }
0x16: {  	s19 =	sld [smem:$0x3FDB];
	_ =	sdelay $0x1  }
0x17: {  	s20 =	simm.s32 $_scs_section_size  }
0x18: {  	s5 =	simm.s32 $_size__tile_overlayer_lowered;
	s6 =	simm.s32 $_tile_overlayer_lowered  }
0x19: {  	s23 =	simm.s32 $0x1BFF;
	s22 =	sshll.u32 s6, $0x1;
	s3 =	sadd.s32 s20, s19  }
0x1a: {  	s7 =	simm.s32 $0x0;
	s21 =	sshll.u32 s5, $0x1;
	s5 =	sadd.s32 s22, s3  }
0x1b: {  	[timem:s7], [sflag:s23] =	dma.local [hbm:s5], s21  }
0x1c: {  	_ =	swait.ge [sflag:s23], s21  }
0x1d: {  	s4 =	ssub.s32 $0x0, s21;
	[sflag:s23] =	ssyncset.done $0x0  }
0x1e: {  	[sflag:s23] =	ssyncadd.s32 s4;
	_ =	sdelay $0x1  }
0x1f: {  	s24 =	simm.s32 $0x1B8B  }
0x20: {  	_ =	swait.ge [sflag:s24], $0x1  }
0x21: {  	[sflag:s24] =	ssyncset.done $0x0  }
0x22: {  	s26 =	simm.s32 $0x1B8E;
	s25 =	sld [smem:$0x3FFE];
	[sflag:s24] =	ssyncadd.s32 $0xFFFFFFFF  }
0x23: {  	s27 =	simm.s32 $execute0_lowered;
	[smem:$0x3FD2] =	sst s26  }
0x24: {  	s5 =	sshll.u32 s27, $0x1;
	_ =	strace $0x80000049;
	[dreg:$0x1] =	wrdreg $0xFFFFFFFF  }
0x25: {  	s28 =	simm.s32 $_size_execute0_lowered;
	s3 =	sadd.s32 s3, s5;
	[dreg:$0x0] =	wrdreg $0x0  }
0x26: {  	s5 =	sshll.u32 s28, $0x1;
	[dreg:$0x2] =	wrdreg s3  }
0x27: {  	[dreg:$0x3] =	wrdreg s5  }
0x28: {  	[dreg:$0x4] =	wrdreg $0xC0  }
0x29: {  	_ =	task [dreg:s7], $0x5FFFF  }
0x2a: {  	[dreg:$0x1] =	wrdreg $0xFFFFFFFF  }
0x2b: {  	[dreg:$0x0] =	wrdreg $0x60  }
0x2c: {  	[dreg:$0x2] =	wrdreg s25  }
0x2d: {  	[dreg:$0x3] =	wrdreg s17  }
0x2e: {  	[dreg:$0x4] =	wrdreg $0x9  }
0x2f: {  	_ =	task.clear_ibuf [dreg:s7], $0x5FFFF;
	_ =	strace $0x90000049  }
0x30: {  	s29 =	simm.s32 $0x9;
	_ =	strace $0x8000004B  }
0x31: {  	_ =	swait.ge [sflag:s29], $0x1  }
0x32: {  	[sflag:s29] =	ssyncadd.s32 $0xFFFFFFFF  }
0x33: {  	_ =	strace $0x9000004B  }
0x34: {  	_ =	sfence  }
0x35: {  	s30 =	sld [smem:$0x0];
	_ =	sdelay $0x2  }
0x36: {  	s31 =	sshll.u32 s1, $0xD;
	s1 =	sshrl.u32 s1, $0x2  }
0x37: {  	s3 =	sand.u32 $0x4000, s31;
	s1 =	sadd.s32 s1, s30  }
0x38: {  	s0 =	sor.u32 s3, s0;
	s1 =	sshll.u32 s1, $0x11  }
0x39: {  	s0 =	sor.u32 s1, s0  }
0x3a: {  	s0 =	sadd.s32 $0x8F2B, s0  }
0x3b: {  	[sflag:s0] =	ssyncadd.remote.s32 $0x1  }
0x3c: {  	_ =	sfence.sel $0xFFFF  }
0x3d: {  	[dreg:$0x0] =	wrdreg $0xFFFFFFFF;
	(pc) =	sbr.abs _section_cstart, $3  }
0x3e: {  	[dreg:$0x1] =	wrdreg $0xFFFFFFFF  }
0x3f: {  	_ =	task.clear_ibuf [dreg:s7], $0x2FFFF;
	_ =	strace $0x9FFFFFFF  }
0x40: {  	(tm) =	ssettm $0x7FFFFFFF  }
0x41: {  	_ =	shalt  }
tec
execute0_lowered:
.L_overlay_start_1:
0x0: {  	(tag) =	ssettag $0x1  }
0x1: {  	s0 =	srdreg.scid  }
0x2: {  	s1 =	sshll.u32 s0, $0x4  }
0x3: {  	s0 =	stileid.u32;
	s1 =	sand.u32 $0x10, s1  }
0x4: {  	s1 =	sor.u32 s0, s1  }
0x5: {  	s6 =	rddreg [dreg:$0x0];
	s4 =	simm.s32 $0x1;
	s2 =	sshll.u32 s1, $0x7  }
0x6: {  	s7 =	simm.s32 $0x2;
	s12 =	simm.s32 $0x0;
	s1 =	ssub.s32 $0x1000, s2  }
0x7: {  	s8 =	simm.s32 $0x8000;
	s13 =	simm.s32 $0x0;
	s3 =	sand.u32 $0xF80, s1  }
0x8: {  	s9 =	simm.s32 $0x0;
	s5 =	sshrl.u32 s1, $0xC;
	p0 =	sne.s32 s3, $0x0  }
.Ltmp0:
0x9: {  	s1 =	rddreg [dreg:$0x2];
	s4 =	simm.s32 @!p0 $0x0;
	(pc) =	sbr.rel .LBB1_1-.Ltmp0, $4  }
0xa: {  	s11 =	simm.s32 $0x0;
	s3 =	rddreg [dreg:$0x1];
	s5 =	sadd.s32 s4, s5  }
0xb: {  	_ =	strace $0x8000004A;
	s4 =	simm.s32 $0x1;
	s5 =	smul.u32 $0xC8, s5  }
0xc: {  	s6 =	sadd.s32 $0xC00, s6;
	s10 =	smov.u32 s2;
	[sflag:s4] =	ssyncpa.u1 $0x0  }
0xd: {  	p0 =	por $0x0, $0x0;
	[sflag:s7] =	ssyncpa.u1 $0x0;
	s7 =	sor.u32 $0x1, s5  }
.LBB1_4:
0xe: {  	s16 =	sshll.u32 s13, $0x3;
	s17 =	sand.u32 $0x78, s13  }
0xf: {  	s30 =	sand.u32 $0x7E00, s13;
	s12 =	sshll.u32 s12, $0xF;
	s16 =	sand.u32 $0xC00, s16  }
0x10: {  	[tilespmem:s15+$0x810 ss:$0x81] =	vst.msk $0xffff, v2;
	s31 =	sand.u32 $0x7, s13;
	s16 =	sor.u32 s17, s16;
	s17 =	sadd.s32 s3, s30  }
0x11: {  	[tilespmem:s15+$0x1020 ss:$0x81] =	vst.msk $0xffff, v0;
	s13 =	sshll.u32 s31, $0x12;
	s12 =	sadd.s32 s12, s17;
	s16 =	sshrl.u32 s16, $0x3  }
0x12: {  	[tilespmem:s15+$0x0 ss:$0x81] =	vst.msk $0xffff, v1;
	s13 =	sor.u32 $0x400, s13;
	s12 =	sadd.s32 s16, s12  }
0x13: {  	[hbm4b:s12+s13] =	stream.strided.scatter [tilespmem:s14], [sflag:$0x2], $0x2000, s8, s13, $0x20;
	[tilespmem:$0x8080] =	vst v63  }
.LBB1_5:
0x14: {  	s14 =	sadd.s32 $0x1, s9  }
0x15: {  	s12 =	sadd.s32 $0x1000, s10;
	s16 =	smov.u32 s10;
	p2 =	sgt.s32 s14, $0xC7  }
0x16: {  	s16 =	smov.u32 @p2 s12  }
0x17: {  	s14 =	simm.s32 @p2 $0x0;
	p2 =	sgt.s32 s16, $0xFFF  }
0x18: {  	s16 =	smov.u32 @p2 s2;
	p2 =	sne.s32 s11, s7  }
.Ltmp1:
0x19: {  	p1 =	slt.u32 s11, $0x2;
	(pc) =	sbr.rel @!p2 .LBB1_6-.Ltmp1, $4  }
0x1a: {  	s15 =	simm.s32 @!p1 $0x2  }
0x1b: {  	s13 =	smov.u32 s10;
	p0 =	por !p0, !p0;
	_ =	swait.ge @!p1 [sflag:s15], $0x2000  }
0x1c: {  	s12 =	smov.u32 s9;
	[sflag:s15] =	ssyncset.done @!p1 $0x0;
	s9 =	smov.u32 s14  }
0x1d: {  	s11 =	sadd.s32 $0x1, s11;
	[sflag:s15] =	ssyncadd.s32 @!p1 $0xFFFFE000;
	s10 =	smov.u32 s16  }
.LBB1_1:
0x1e: {  	p1 =	sge.u32 s11, s5  }
0x1f: {  	s14 =	sand.u32 @!p1 $0x1FFFFFF, s9  }
0x20: {  	s15 =	smulhi.u32 @!p1 $0x147AE15, s14;
	_ =	sdelay $0x1  }
0x21: {  	s15 =	smul.u32 @!p1 $0xC8, s15  }
0x22: {  	s16 =	sxor.u32 @!p1 $0xFFFFFFFF, s11;
	s17 =	smul.u32 @!p1 $0xC80, s10  }
0x23: {  	s31 =	sadd.s32 $0xFFFFFFFF, s11;
	s16 =	sshll.u32 @!p1 s16, $0xD;
	s14 =	ssub.s32 @!p1 s14, s15  }
0x24: {  	s15 =	sand.u32 @!p1 $0x2000, s16;
	s16 =	sadd.s32 @!p1 s6, s17;
	s14 =	sshll.u32 @!p1 s14, $0x4  }
0x25: {  	s17 =	simm.s32 @!p1 $0x6400;
	s14 =	sadd.s32 @!p1 s14, s16;
	s16 =	simm.s32 @!p1 $0x40  }
0x26: {  	[tilespmem:s15], [sflag:$0x1] =	stream.strided.gather @!p1 [hbm4b:s14+s16], $0x2000, s17, s16, $0x38;
	[tilespmem:$0x8080] =	vst v63  }
0x27: {  	p1 =	sge.u32 s31, s5  }
.Ltmp2:
0x28: {  	_ = 	snop;
	(pc) =	sbr.rel @p1 .LBB1_5-.Ltmp2, $1  }
0x29: {  	_ =	sdelay $0x3  }
0x2a: {  	s14 =	simm.s32 $0x1  }
0x2b: {  	_ =	swait.ge [sflag:s4], $0x2000;
	s14 =	simm.s32 @!p0 $0x0  }
0x2c: {  	[sflag:s4] =	ssyncset.done $0x0;
	s15 =	sshll.u32 s14, $0xD  }
0x2d: {  	[sflag:s4] =	ssyncadd.s32 $0xFFFFE000;
	s18 =	sor.u32 $0x20, s15  }
0x2e: {  	s14 =	smul.u32 $0x8100, s14;
	v3 =	vld [tilespmem:s18+$0x10]  }
0x2f: {  	s30 =	sand.u32 $0x1, s11;
	v2 =	vld [tilespmem:s18+$0xFFFFFFF0]  }
0x30: {  	s15 =	smul.u32 $0x8100, s30;
	s14 =	sshrl.u32 s14, $0x2;
	v0 =	vld [tilespmem:s18+$0x0]  }
0x31: {  	v1 =	vld [tilespmem:s18+$0xFFFFFFE0];
	s16 =	sor.u32 $0x4000, s14  }
0x32: {  	s31 =	sshrl.u32 s15, $0x2;
	s15 =	sadd.s32 $0x0, s16  }
0x33: {  	s17 =	simm.s32 $0x4;
	s18 =	sadd.s32 $0x40, s18;
	s14 =	sor.u32 $0x4000, s31;
	[tilespmem:s15+$0x1830 ss:$0x81] =	vst.msk $0xffff, v3  }
.LBB1_3:
0x34: {  	v3 =	vld [tilespmem:s18+$0x10];
	p1 =	sne.s32 s17, $0x1FC;
	[tilespmem:s15+$0x810 ss:$0x81] =	vst.msk $0xffff, v2;
	s19 =	smov.u32 s17;
	s17 =	sadd.s32 $0x4, s17  }
.Ltmp3:
0x35: {  	v2 =	vld [tilespmem:s18+$0xFFFFFFF0];
	[tilespmem:s15+$0x1020 ss:$0x81] =	vst.msk $0xffff, v0;
	(pc) =	sbr.rel @p1 .LBB1_3-.Ltmp3, $4  }
0x36: {  	v0 =	vld [tilespmem:s18+$0x0];
	[tilespmem:s15+$0x0 ss:$0x81] =	vst.msk $0xffff, v1  }
0x37: {  	s15 =	sshra.s32 s19, $0x2;
	v1 =	vld [tilespmem:s18+$0xFFFFFFE0]  }
0x38: {  	s15 =	sadd.s32 s15, s16  }
0x39: {  	s18 =	sadd.s32 $0x40, s18;
	[tilespmem:s15+$0x1830 ss:$0x81] =	vst.msk $0xffff, v3  }
.Ltmp4:
0x3a: {  	_ = 	snop;
	(pc) =	sbr.rel .LBB1_4-.Ltmp4, $1  }
0x3b: {  	_ =	sdelay $0x3  }
.LBB1_6:
0x3c: {  	_ =	sfence.sel $0x180000  }
0x3d: {  	s2 =	simm.s32 $0x1;
	[bflag:$0x0] =	sbarrier.arrive $0xFFFF  }
0x3e: {  	s31 =	simm.s32 $0x2;
	[sflag:s2] =	ssyncpa.u1 $0x1  }
0x3f: {  	[sflag:s31] =	ssyncpa.u1 $0x1  }
0x40: {  	p0 =	sne.s32 s0, $0x0;
	_ =	strace $0x9000004A  }
0x41: {  	s0 =	sadd.s32 @!p0 $0x100000, s1;
	[bflag:$0x2] =	sbarrier.arrive $0xFFFF  }
0x42: {  	[sflag:s0] =	ssyncadd.tile.s32 @!p0 $0x1;
	_ =	shalt  }
.Lfunc_end1:
_tile_overlayer_lowered:
.L_overlay_start_2:
0x43: {  	(tag) =	ssettag $0x2  }
0x44: {  	s0 =	rddreg [dreg:$0x0];
	s2 =	stileid.u32  }
0x45: {  	s1 =	rddreg [dreg:$0x1];
	p0 =	sne.s32 s2, $0x0  }
0x46: {  	s3 =	rddreg [dreg:$0x2];
	[bflag:$0x3] =	sbarrier.arrive $0xFFFF;
	s2 =	simm.s32 @!p0 $0x1C01  }
0x47: {  	[timem:s3], [sflag:s2] =	dma.local @!p0 [hbm:s0], s1  }
0x48: {  	s0 =	simm.s32 @!p0 $0x1  }
0x49: {  	_ =	swait.ge @!p0 [sflag:s0], s1  }
0x4a: {  	s1 =	ssub.s32 @!p0 $0x0, s1;
	[sflag:s0] =	ssyncset.done @!p0 $0x0  }
0x4b: {  	[sflag:s0] =	ssyncadd.s32 @!p0 s1  }
0x4c: {  	[bflag:$0x3] =	sbarrier.arrive $0xFFFF  }
0x4d: {  	_ =	shalt  }

</sc_bundles>
